<compile_context>
chip_gen: v7x
topology: tpu7x:2x2x1
jax: 0.10.2.dev20260603
libtpu: 0.0.44.dev20260713+nightly
codegen_flags: <defaults>
</compile_context>

<pallas_src>
import functools

import jax
import jax.numpy as jnp
from jax import lax
from jax.experimental import pallas as pl
from jax.experimental.pallas import tpu as pltpu
from jax.experimental.pallas import tpu_sc as plsc

N = 50000
E = 800000
EF = 40
L = 3
NF = 64

NP = 51200
HALF = 25600
NHB = 25
EP = 802816
GW = 128
BE = 4096
BN = 1024
SP_ROWS = 25664
TRASH = 25600
SENTINEL = 60000

_GAMMA = (EF - 1) / 8.0



def _emb_kernel(af_ref, w_ref, b_ref, h_ref):
    h_ref[...] = (
        jnp.dot(af_ref[...], w_ref[...], preferred_element_type=jnp.float32)
        + b_ref[...]
    )


def _proj_kernel(h_ref, ws_ref, wd_ref, ts_ref, td_ref):
    h = h_ref[...]
    ts_ref[...] = jnp.dot(h, ws_ref[...], preferred_element_type=jnp.float32)
    td_ref[...] = jnp.dot(h, wd_ref[...], preferred_element_type=jnp.float32)


def _edge_y(gs_ref, gd_ref, r_ref, we_ref, b_ref):
    rb = r_ref[...]
    d = jnp.sqrt(rb[:, 0:1] ** 2 + rb[:, 1:2] ** 2 + rb[:, 2:3] ** 2)
    centers = lax.broadcasted_iota(jnp.int32, (1, EF), 1).astype(
        jnp.float32) * (8.0 / (EF - 1))
    e = jnp.exp(-_GAMMA * (d - centers) ** 2)
    ep = jnp.dot(e, we_ref[...], preferred_element_type=jnp.float32)
    return gs_ref[...] + gd_ref[...] + ep + b_ref[...]


def _passA_kernel(gs_ref, gd_ref, r_ref, we_ref, b_ref, stats_ref):
    i = pl.program_id(0)

    @pl.when(i == 0)
    def _():
        stats_ref[...] = jnp.zeros_like(stats_ref)

    y = _edge_y(gs_ref, gd_ref, r_ref, we_ref, b_ref)
    rows = lax.broadcasted_iota(jnp.int32, (BE, 1), 0) + i * BE
    maskf = (rows < E).astype(jnp.float32)
    ym = y * maskf
    s = jnp.sum(ym, axis=0)
    s2 = jnp.sum(ym * y, axis=0)
    stats_ref[0, :] += s
    stats_ref[1, :] += s2


def _passB_kernel(gs_ref, gd_ref, r_ref, we_ref, b_ref, sc_ref, sh_ref,
                  msg_ref):
    y = _edge_y(gs_ref, gd_ref, r_ref, we_ref, b_ref)
    a = y * sc_ref[...] + sh_ref[...]
    inter = jax.nn.sigmoid(a[:, :NF])
    upd = jax.nn.softplus(a[:, NF:])
    msg_ref[...] = (inter * upd).astype(jnp.bfloat16)


def _nstats_kernel(agg_ref, stats_ref):
    i = pl.program_id(0)

    @pl.when(i == 0)
    def _():
        stats_ref[...] = jnp.zeros_like(stats_ref)

    rows = lax.broadcasted_iota(jnp.int32, (BN, 1), 0) + i * BN
    maskf = (rows < N).astype(jnp.float32)
    a = agg_ref[0]
    am = a * maskf
    stats_ref[0, :] += jnp.sum(am, axis=0)
    stats_ref[1, :] += jnp.sum(am * a, axis=0)


def _update_kernel(h_ref, agg_ref, sc_ref, sh_ref, hn_ref, hsum_ref):
    i = pl.program_id(0)

    @pl.when(i == 0)
    def _():
        hsum_ref[...] = jnp.zeros_like(hsum_ref)

    hn = jax.nn.softplus(h_ref[...] + agg_ref[0] * sc_ref[...] + sh_ref[...])
    hn_ref[...] = hn
    rows = lax.broadcasted_iota(jnp.int32, (BN, 1), 0) + i * BN
    maskf = (rows < N).astype(jnp.float32)
    hsum_ref[...] += jnp.sum(hn * maskf, axis=0, keepdims=True)


def _readout_kernel(hsum_ref, wfc_ref, bfc_ref, wout_ref, bout_ref, o_ref):
    feat = jax.nn.softplus(hsum_ref[...] / N)
    f2 = jax.nn.softplus(
        jnp.dot(feat, wfc_ref[...], preferred_element_type=jnp.float32)
        + bfc_ref[...]
    )
    o_ref[...] = jnp.sum(f2 * wout_ref[...], axis=1, keepdims=True) + bout_ref[...]



def _sc_mesh():
    return plsc.VectorSubcoreMesh(core_axis_name="c", subcore_axis_name="s")


@jax.jit
def _sc_gather(tsrc, tdst, src2d, dst2d):
    @functools.partial(
        pl.kernel,
        out_type=[
            jax.ShapeDtypeStruct((EP, 128), jnp.float32),
            jax.ShapeDtypeStruct((EP, 128), jnp.float32),
        ],
        mesh=_sc_mesh(),
    )
    def k(ts_hbm, td_hbm, si_hbm, di_hbm, gs_hbm, gd_hbm):
        def body(si, di, os, od):
            pltpu.sync_copy(ts_hbm.at[si.at[0]], os)
            pltpu.sync_copy(td_hbm.at[di.at[0]], od)

        pltpu.emit_pipeline(
            body,
            grid=(EP // GW,),
            in_specs=[
                pl.BlockSpec((1, GW), lambda i: (0, i)),
                pl.BlockSpec((1, GW), lambda i: (0, i)),
            ],
            out_specs=[
                pl.BlockSpec((GW, 128), lambda i: (i, 0)),
                pl.BlockSpec((GW, 128), lambda i: (i, 0)),
            ],
            core_axis_name=("c", "s"),
            dimension_semantics=(pltpu.PARALLEL,),
        )(si_hbm, di_hbm, gs_hbm, gd_hbm)

    return k(tsrc, tdst, src2d, dst2d)



def kernel(atom_features, r, edge_index, W_emb, b_emb, W_int, b_int, g_int,
           be_int, W_upd, b_upd, g_upd, be_upd, g_bn, be_bn, W_fc, b_fc,
           W_out, b_out):
    f32 = jnp.float32
    af = jnp.pad(atom_features, ((0, NP - N), (0, 0)))
    rp = jnp.pad(r, ((0, EP - E), (0, 0)))
    src = jnp.pad(edge_index[0], (0, EP - E)).reshape(1, EP)
    dst_flat = jnp.pad(edge_index[1], (0, EP - E), constant_values=SENTINEL)
    dst_g = jnp.pad(edge_index[1], (0, EP - E)).reshape(1, EP)

    wemb_t = W_emb.T
    bembr = b_emb.reshape(1, NF)
    ws_l = [jnp.concatenate([W_int[l][:, :NF].T, W_upd[l][:, :NF].T], axis=1)
            for l in range(L)]
    wd_l = [jnp.concatenate([W_int[l][:, NF:2 * NF].T,
                             W_upd[l][:, NF:2 * NF].T], axis=1)
            for l in range(L)]
    we_l = [jnp.concatenate([W_int[l][:, 2 * NF:].T,
                             W_upd[l][:, 2 * NF:].T], axis=1)
            for l in range(L)]
    b_l = [jnp.concatenate([b_int[l], b_upd[l]]).reshape(1, 2 * NF)
           for l in range(L)]
    g_l = [jnp.concatenate([g_int[l], g_upd[l]]) for l in range(L)]
    beta_l = [jnp.concatenate([be_int[l], be_upd[l]]) for l in range(L)]

    h = pl.pallas_call(
        _emb_kernel,
        grid=(NP // BN,),
        in_specs=[
            pl.BlockSpec((BN, 92), lambda i: (i, 0)),
            pl.BlockSpec((92, NF), lambda i: (0, 0)),
            pl.BlockSpec((1, NF), lambda i: (0, 0)),
        ],
        out_specs=pl.BlockSpec((BN, NF), lambda i: (i, 0)),
        out_shape=jax.ShapeDtypeStruct((NP, NF), f32),
    )(af, wemb_t, bembr)

    hsum = None
    for l in range(L):
        tsrc, tdst = pl.pallas_call(
            _proj_kernel,
            grid=(NP // BN,),
            in_specs=[
                pl.BlockSpec((BN, NF), lambda i: (i, 0)),
                pl.BlockSpec((NF, 2 * NF), lambda i: (0, 0)),
                pl.BlockSpec((NF, 2 * NF), lambda i: (0, 0)),
            ],
            out_specs=[
                pl.BlockSpec((BN, 2 * NF), lambda i: (i, 0)),
                pl.BlockSpec((BN, 2 * NF), lambda i: (i, 0)),
            ],
            out_shape=[
                jax.ShapeDtypeStruct((NP, 2 * NF), f32),
                jax.ShapeDtypeStruct((NP, 2 * NF), f32),
            ],
        )(h, ws_l[l], wd_l[l])

        gs, gd = _sc_gather(tsrc, tdst, src, dst_g)

        stats = pl.pallas_call(
            _passA_kernel,
            grid=(EP // BE,),
            in_specs=[
                pl.BlockSpec((BE, 2 * NF), lambda i: (i, 0)),
                pl.BlockSpec((BE, 2 * NF), lambda i: (i, 0)),
                pl.BlockSpec((BE, 3), lambda i: (i, 0)),
                pl.BlockSpec((EF, 2 * NF), lambda i: (0, 0)),
                pl.BlockSpec((1, 2 * NF), lambda i: (0, 0)),
            ],
            out_specs=pl.BlockSpec((2, 2 * NF), lambda i: (0, 0)),
            out_shape=jax.ShapeDtypeStruct((2, 2 * NF), f32),
        )(gs, gd, rp, we_l[l], b_l[l])
        mean = stats[0] / E
        var = stats[1] / E - mean * mean
        scale = g_l[l] / jnp.sqrt(var + 1e-5)
        shift = beta_l[l] - mean * scale

        msg = pl.pallas_call(
            _passB_kernel,
            grid=(EP // BE,),
            in_specs=[
                pl.BlockSpec((BE, 2 * NF), lambda i: (i, 0)),
                pl.BlockSpec((BE, 2 * NF), lambda i: (i, 0)),
                pl.BlockSpec((BE, 3), lambda i: (i, 0)),
                pl.BlockSpec((EF, 2 * NF), lambda i: (0, 0)),
                pl.BlockSpec((1, 2 * NF), lambda i: (0, 0)),
                pl.BlockSpec((1, 2 * NF), lambda i: (0, 0)),
                pl.BlockSpec((1, 2 * NF), lambda i: (0, 0)),
            ],
            out_specs=pl.BlockSpec((BE, NF), lambda i: (i, 0)),
            out_shape=jax.ShapeDtypeStruct((EP, NF), jnp.bfloat16),
        )(gs, gd, rp, we_l[l], b_l[l], scale.reshape(1, -1),
          shift.reshape(1, -1))

        half = jnp.where(dst_flat < NP, dst_flat // HALF, 0)
        row = jnp.where(dst_flat < NP, dst_flat % HALF, TRASH)
        flat = half * SP_ROWS + row
        agg = jax.ops.segment_sum(
            msg, flat, num_segments=2 * SP_ROWS,
        ).astype(f32).reshape(2, SP_ROWS, NF)

        nstats = pl.pallas_call(
            _nstats_kernel,
            grid=(NP // BN,),
            in_specs=[pl.BlockSpec((1, BN, NF),
                                   lambda i: (i // NHB, i % NHB, 0))],
            out_specs=pl.BlockSpec((2, NF), lambda i: (0, 0)),
            out_shape=jax.ShapeDtypeStruct((2, NF), f32),
        )(agg)
        nmean = nstats[0] / N
        nvar = nstats[1] / N - nmean * nmean
        nscale = g_bn[l] / jnp.sqrt(nvar + 1e-5)
        nshift = be_bn[l] - nmean * nscale

        h, hsum = pl.pallas_call(
            _update_kernel,
            grid=(NP // BN,),
            in_specs=[
                pl.BlockSpec((BN, NF), lambda i: (i, 0)),
                pl.BlockSpec((1, BN, NF), lambda i: (i // NHB, i % NHB, 0)),
                pl.BlockSpec((1, NF), lambda i: (0, 0)),
                pl.BlockSpec((1, NF), lambda i: (0, 0)),
            ],
            out_specs=[
                pl.BlockSpec((BN, NF), lambda i: (i, 0)),
                pl.BlockSpec((1, NF), lambda i: (0, 0)),
            ],
            out_shape=[
                jax.ShapeDtypeStruct((NP, NF), f32),
                jax.ShapeDtypeStruct((1, NF), f32),
            ],
        )(h, agg, nscale.reshape(1, -1), nshift.reshape(1, -1))

    out = pl.pallas_call(
        _readout_kernel,
        out_shape=jax.ShapeDtypeStruct((1, 1), f32),
    )(hsum, W_fc.T, b_fc.reshape(1, -1), W_out, b_out.reshape(1, -1))
    return jnp.squeeze(out)

# --- scband reference (transcript-rebuilt; emitter-appended) ---
"""Pipeline reference for scband-cgcnnsimple-2156073582919 (READ-ONLY COPY).

The authoritative reference and input builder live on the scoring server;
editing this copy changes nothing except your own understanding.
"""

import jax, jax.numpy as jnp
import numpy as np

N = 50000
E = 800000
AIF = 92
NF = 64
EF = 40
L = 3
FC = 128


def _softplus(x):
    return jax.nn.softplus(x)


def _bn(x, g, b):
    m = x.mean(axis=0)
    v = x.var(axis=0)
    return g * (x - m) / jnp.sqrt(v + 1e-5) + b


def setup_inputs(seed: int = 0):
    key = jax.random.key(seed)
    ks = jax.random.split(key, 8)
    IN = 2 * NF + EF
    inp = {}
    inp["atom_features"] = jax.random.normal(ks[0], (N, AIF), dtype=jnp.float32)
    inp["r"] = jax.random.normal(ks[1], (E, 3), dtype=jnp.float32)
    inp["edge_index"] = jax.random.randint(ks[2], (2, E), 0, N, dtype=jnp.int32)
    inp["W_emb"] = 0.05 * jax.random.normal(ks[3], (NF, AIF), dtype=jnp.float32)
    inp["b_emb"] = jnp.zeros((NF,), dtype=jnp.float32)
    inp["W_int"] = 0.05 * jax.random.normal(ks[4], (L, NF, IN), dtype=jnp.float32)
    inp["b_int"] = jnp.zeros((L, NF), dtype=jnp.float32)
    inp["g_int"] = jnp.ones((L, NF), dtype=jnp.float32)
    inp["be_int"] = jnp.zeros((L, NF), dtype=jnp.float32)
    inp["W_upd"] = 0.05 * jax.random.normal(ks[5], (L, NF, IN), dtype=jnp.float32)
    inp["b_upd"] = jnp.zeros((L, NF), dtype=jnp.float32)
    inp["g_upd"] = jnp.ones((L, NF), dtype=jnp.float32)
    inp["be_upd"] = jnp.zeros((L, NF), dtype=jnp.float32)
    inp["g_bn"] = jnp.ones((L, NF), dtype=jnp.float32)
    inp["be_bn"] = jnp.zeros((L, NF), dtype=jnp.float32)
    inp["W_fc"] = 0.05 * jax.random.normal(ks[6], (FC, NF), dtype=jnp.float32)
    inp["b_fc"] = jnp.zeros((FC,), dtype=jnp.float32)
    inp["W_out"] = 0.05 * jax.random.normal(ks[7], (1, FC), dtype=jnp.float32)
    inp["b_out"] = jnp.zeros((1,), dtype=jnp.float32)
    return inp


def reference(atom_features, r, edge_index, W_emb, b_emb, W_int, b_int, g_int, be_int, W_upd, b_upd, g_upd, be_upd, g_bn, be_bn, W_fc, b_fc, W_out, b_out):
    # RBFExpansion: vmin=0, vmax=8, bins=EF; lengthscale = mean(diff(centers)) = 8/(EF-1); gamma = 1/lengthscale
    centers = jnp.linspace(0.0, 8.0, EF)
    gamma = (EF - 1) / 8.0
    bondlength = jnp.sqrt(jnp.sum(r * r, axis=1))
    e = jnp.exp(-gamma * (bondlength[:, None] - centers) ** 2)
    # atom embedding
    h = atom_features @ W_emb.T + b_emb
    src = edge_index[0]
    dst = edge_index[1]
    for l in range(L):
        # message: concat(src h, dst h, edge h) -> gated edge update
        z = jnp.concatenate([h[src], h[dst], e], axis=1)
        inter = jax.nn.sigmoid(_bn(z @ W_int[l].T + b_int[l], g_int[l], be_int[l]))
        upd = _softplus(_bn(z @ W_upd[l].T + b_upd[l], g_upd[l], be_upd[l]))
        # reduce: sum messages into dst nodes (dgl fn.sum)
        agg = jax.ops.segment_sum(inter * upd, dst, num_segments=N)
        h = _softplus(h + _bn(agg, g_bn[l], be_bn[l]))
    # AvgPooling readout over single graph
    feat = _softplus(h.mean(axis=0))
    feat = _softplus(feat @ W_fc.T + b_fc)
    out = feat @ W_out.T + b_out
    return jnp.squeeze(out)

if __name__ == "__main__":
    import jax
    _d = setup_inputs()
    print(jax.jit(kernel)(*tuple(_d.values())))

</pallas_src>

<mosaic_0001>
#map = affine_map<(d0, d1) -> (0, 0)>
module attributes {stable_mosaic.version = 14 : i64} {
  func.func @k(%arg0: i32, %arg1: i32, %arg2: memref<51200x128xf32, #tpu.memory_space<hbm>>, %arg3: memref<51200x128xf32, #tpu.memory_space<hbm>>, %arg4: memref<1x802816xi32, #tpu.memory_space<hbm>>, %arg5: memref<1x802816xi32, #tpu.memory_space<hbm>>, %arg6: memref<802816x128xf32, #tpu.memory_space<hbm>>, %arg7: memref<802816x128xf32, #tpu.memory_space<hbm>>) attributes {dimension_semantics = [#tpu.dimension_semantics<core_parallel>, #tpu.dimension_semantics<subcore_parallel>], iteration_bounds = array<i64: 2, 16>, scalar_prefetch = 0 : i64, scratch_operands = 0 : i64, tpu.core_type = #tpu.core_type<sc_vector_subcore>, window_params = [{transform_indices = #map}, {transform_indices = #map}, {transform_indices = #map}, {transform_indices = #map}, {transform_indices = #map}, {transform_indices = #map}]} {
    %mul3A = arith.constant 1 : i32
    %mul3A_0 = arith.muli %arg1, %mul3A : i32
    %add3A = arith.constant 0 : i32
    %add3A_1 = arith.addi %add3A, %mul3A_0 : i32
    %mul3A_2 = arith.constant 16 : i32
    %mul3A_3 = arith.muli %arg0, %mul3A_2 : i32
    %add3A_4 = arith.addi %add3A_1, %mul3A_3 : i32
    %mul3A_5 = arith.constant 196 : i32
    %mul3A_6 = arith.muli %add3A_4, %mul3A_5 : i32
    "tpu.region"() ({
      %run_scoped3A = memref.alloca() : memref<2x1x128xi32, #tpu.memory_space<vmem>>
      %run_scoped3A_7 = tpu.sem_alloc : memref<2x!tpu.dma_semaphore, #tpu.memory_space<semaphore_mem>>
      %run_scoped3A_8 = memref.alloca() : memref<2x1x128xi32, #tpu.memory_space<vmem>>
      %run_scoped3A_9 = tpu.sem_alloc : memref<2x!tpu.dma_semaphore, #tpu.memory_space<semaphore_mem>>
      %run_scoped3A_10 = memref.alloca() : memref<2x128x128xf32, #tpu.memory_space<vmem>>
      %run_scoped3A_11 = tpu.sem_alloc : memref<2x!tpu.dma_semaphore, #tpu.memory_space<semaphore_mem>>
      %run_scoped3A_12 = memref.alloca() : memref<2x128x128xf32, #tpu.memory_space<vmem>>
      %run_scoped3A_13 = tpu.sem_alloc : memref<2x!tpu.dma_semaphore, #tpu.memory_space<semaphore_mem>>
      %add3A_14 = arith.constant 0 : i32
      %add3A_15 = arith.addi %add3A_14, %mul3A_6 : i32
      %select_n3A = arith.constant true
      %select_n3A_16 = arith.constant 0 : i32
      %select_n3A_17 = arith.constant -1 : i32
      %select_n3A_18 = arith.select %select_n3A, %select_n3A_17, %select_n3A_16 : i32
      %eq3A = arith.constant -1 : i32
      %eq3A_19 = arith.cmpi eq, %select_n3A_18, %eq3A : i32
      %select_n3A_20 = arith.constant 195 : i32
      %select_n3A_21 = arith.select %eq3A_19, %select_n3A_20, %select_n3A_18 : i32
      %add3A_22 = arith.addi %select_n3A_21, %mul3A_6 : i32
      %select_n3A_23 = arith.constant true
      %select_n3A_24 = arith.constant 0 : i32
      %select_n3A_25 = arith.constant 1 : i32
      %select_n3A_26 = arith.select %select_n3A_23, %select_n3A_25, %select_n3A_24 : i32
      %eq3A_27 = arith.constant 196 : i32
      %eq3A_28 = arith.cmpi eq, %select_n3A_26, %eq3A_27 : i32
      %select_n3A_29 = arith.constant 0 : i32
      %select_n3A_30 = arith.select %eq3A_28, %select_n3A_29, %select_n3A_26 : i32
      %add3A_31 = arith.addi %select_n3A_30, %mul3A_6 : i32
      %add3A_32 = arith.constant 1 : i32
      %add3A_33 = arith.addi %select_n3A_30, %add3A_32 : i32
      %select_n3A_34 = arith.constant true
      %select_n3A_35 = arith.select %select_n3A_34, %add3A_33, %select_n3A_30 : i32
      %eq3A_36 = arith.constant 196 : i32
      %eq3A_37 = arith.cmpi eq, %select_n3A_35, %eq3A_36 : i32
      %select_n3A_38 = arith.constant 0 : i32
      %select_n3A_39 = arith.select %eq3A_37, %select_n3A_38, %select_n3A_35 : i32
      %add3A_40 = arith.addi %select_n3A_39, %mul3A_6 : i32
      "tpu.trace_start"() <{level = 10 : i32, message = "ep_initialize_0"}> : () -> ()
      %rem3A = arith.constant 0 : i32
      %rem3A_41 = arith.constant 2 : i32
      %rem3A_42 = arith.remui %rem3A, %rem3A_41 : i32
      %mul3A_43 = arith.constant 128 : i32
      %mul3A_44 = arith.muli %mul3A_43, %add3A_15 : i32
      %dma_start3A = arith.constant 0 : i32
      %dma_start3A_45 = arith.constant 0 : i32
      %dma_start3A_46 = tpu.memref_slice %run_scoped3A[%rem3A_42, %dma_start3A, %dma_start3A_45] : memref<2x1x128xi32, #tpu.memory_space<vmem>> -> memref<1x1x128xi32, #tpu.memory_space<vmem>>
      %dma_start3A_47 = tpu.memref_squeeze %dma_start3A_46 : memref<1x1x128xi32, #tpu.memory_space<vmem>> -> memref<1x128xi32, #tpu.memory_space<vmem>>
      %dma_start3A_48 = arith.constant 0 : i32
      %dma_start3A_49 = tpu.memref_slice %arg4[%dma_start3A_48, %mul3A_44] : memref<1x802816xi32, #tpu.memory_space<hbm>> -> memref<1x128xi32, #tpu.memory_space<hbm>>
      %dma_start3A_50 = tpu.memref_slice %run_scoped3A_7[%rem3A_42] : memref<2x!tpu.dma_semaphore, #tpu.memory_space<semaphore_mem>> -> memref<1x!tpu.dma_semaphore, #tpu.memory_space<semaphore_mem>>
      %dma_start3A_51 = tpu.memref_squeeze %dma_start3A_50 : memref<1x!tpu.dma_semaphore, #tpu.memory_space<semaphore_mem>> -> memref<!tpu.dma_semaphore, #tpu.memory_space<semaphore_mem>>
      %dma_start3A_52 = arith.constant 0 : i32
      %dma_start3A_53 = arith.constant 0 : i32
      %dma_start3A_54 = tpu.memref_slice %run_scoped3A[%rem3A_42, %dma_start3A_52, %dma_start3A_53] : memref<2x1x128xi32, #tpu.memory_space<vmem>> -> memref<1x1x128xi32, #tpu.memory_space<vmem>>
      %dma_start3A_55 = tpu.memref_squeeze %dma_start3A_54 : memref<1x1x128xi32, #tpu.memory_space<vmem>> -> memref<1x128xi32, #tpu.memory_space<vmem>>
      %dma_start3A_56 = arith.constant 0 : i32
      %dma_start3A_57 = tpu.memref_slice %arg4[%dma_start3A_56, %mul3A_44] : memref<1x802816xi32, #tpu.memory_space<hbm>> -> memref<1x128xi32, #tpu.memory_space<hbm>>
      tpu.enqueue_dma source(%dma_start3A_57 : memref<1x128xi32, #tpu.memory_space<hbm>>) target(%dma_start3A_55 : memref<1x128xi32, #tpu.memory_space<vmem>>) target_semaphore(%dma_start3A_51 : memref<!tpu.dma_semaphore, #tpu.memory_space<semaphore_mem>>)
      %add3A_58 = arith.constant 0 : i32
      %add3A_59 = arith.constant 1 : i32
      %add3A_60 = arith.addi %add3A_58, %add3A_59 : i32
      %select_n3A_61 = arith.constant true
      %select_n3A_62 = arith.constant 0 : i32
      %select_n3A_63 = arith.select %select_n3A_61, %add3A_60, %select_n3A_62 : i32
      %rem3A_64 = arith.constant 0 : i32
      %rem3A_65 = arith.constant 2 : i32
      %rem3A_66 = arith.remui %rem3A_64, %rem3A_65 : i32
      %mul3A_67 = arith.constant 128 : i32
      %mul3A_68 = arith.muli %mul3A_67, %add3A_15 : i32
      %dma_start3A_69 = arith.constant 0 : i32
      %dma_start3A_70 = arith.constant 0 : i32
      %dma_start3A_71 = tpu.memref_slice %run_scoped3A_8[%rem3A_66, %dma_start3A_69, %dma_start3A_70] : memref<2x1x128xi32, #tpu.memory_space<vmem>> -> memref<1x1x128xi32, #tpu.memory_space<vmem>>
      %dma_start3A_72 = tpu.memref_squeeze %dma_start3A_71 : memref<1x1x128xi32, #tpu.memory_space<vmem>> -> memref<1x128xi32, #tpu.memory_space<vmem>>
      %dma_start3A_73 = arith.constant 0 : i32
      %dma_start3A_74 = tpu.memref_slice %arg5[%dma_start3A_73, %mul3A_68] : memref<1x802816xi32, #tpu.memory_space<hbm>> -> memref<1x128xi32, #tpu.memory_space<hbm>>
      %dma_start3A_75 = tpu.memref_slice %run_scoped3A_9[%rem3A_66] : memref<2x!tpu.dma_semaphore, #tpu.memory_space<semaphore_mem>> -> memref<1x!tpu.dma_semaphore, #tpu.memory_space<semaphore_mem>>
      %dma_start3A_76 = tpu.memref_squeeze %dma_start3A_75 : memref<1x!tpu.dma_semaphore, #tpu.memory_space<semaphore_mem>> -> memref<!tpu.dma_semaphore, #tpu.memory_space<semaphore_mem>>
      %dma_start3A_77 = arith.constant 0 : i32
      %dma_start3A_78 = arith.constant 0 : i32
      %dma_start3A_79 = tpu.memref_slice %run_scoped3A_8[%rem3A_66, %dma_start3A_77, %dma_start3A_78] : memref<2x1x128xi32, #tpu.memory_space<vmem>> -> memref<1x1x128xi32, #tpu.memory_space<vmem>>
      %dma_start3A_80 = tpu.memref_squeeze %dma_start3A_79 : memref<1x1x128xi32, #tpu.memory_space<vmem>> -> memref<1x128xi32, #tpu.memory_space<vmem>>
      %dma_start3A_81 = arith.constant 0 : i32
      %dma_start3A_82 = tpu.memref_slice %arg5[%dma_start3A_81, %mul3A_68] : memref<1x802816xi32, #tpu.memory_space<hbm>> -> memref<1x128xi32, #tpu.memory_space<hbm>>
      tpu.enqueue_dma source(%dma_start3A_82 : memref<1x128xi32, #tpu.memory_space<hbm>>) target(%dma_start3A_80 : memref<1x128xi32, #tpu.memory_space<vmem>>) target_semaphore(%dma_start3A_76 : memref<!tpu.dma_semaphore, #tpu.memory_space<semaphore_mem>>)
      %add3A_83 = arith.constant 0 : i32
      %add3A_84 = arith.constant 1 : i32
      %add3A_85 = arith.addi %add3A_83, %add3A_84 : i32
      %select_n3A_86 = arith.constant true
      %select_n3A_87 = arith.constant 0 : i32
      %select_n3A_88 = arith.select %select_n3A_86, %add3A_85, %select_n3A_87 : i32
      "tpu.trace_stop"() : () -> ()
      %scan3A = arith.constant 0 : i32
      %scan3A_89 = arith.constant 0 : i32
      %scan3A_90 = arith.constant 0 : i32
      %scan3A_91 = arith.constant 0 : i32
      %scan3A_92 = arith.constant 0 : i32
      %scan3A_93 = arith.constant 0 : i32
      %scan3A_94 = arith.constant 0 : i32
      %scan3A_95 = arith.constant 0 : i32
      %scan3A_96 = arith.constant 196 : i32
      %scan3A_97 = arith.addi %scan3A_95, %scan3A_96 : i32
      %scan3A_98 = arith.constant 1 : i32
      %scan3A_99:9 = scf.for %scan3A_171 = %scan3A_95 to %scan3A_97 step %scan3A_98 iter_args(%scan3A_172 = %select_n3A_63, %scan3A_173 = %scan3A, %scan3A_174 = %select_n3A_88, %scan3A_175 = %scan3A_89, %scan3A_176 = %scan3A_90, %scan3A_177 = %scan3A_91, %scan3A_178 = %scan3A_92, %scan3A_179 = %scan3A_93, %scan3A_180 = %scan3A_94) -> (i32, i32, i32, i32, i32, i32, i32, i32, i32)  : i32 {
        %eq3A_181 = arith.constant 0 : i32
        %eq3A_182 = arith.cmpi eq, %scan3A_171, %eq3A_181 : i32
        %eq3A_183 = arith.constant 195 : i32
        %eq3A_184 = arith.cmpi eq, %scan3A_171, %eq3A_183 : i32
        %add3A_185 = arith.addi %scan3A_180, %mul3A_6 : i32
        %sub3A_186 = arith.constant 1 : i32
        %sub3A_187 = arith.subi %scan3A_180, %sub3A_186 : i32
        %select_n3A_188 = arith.constant true
        %select_n3A_189 = arith.select %select_n3A_188, %sub3A_187, %scan3A_180 : i32
        %eq3A_190 = arith.constant -1 : i32
        %eq3A_191 = arith.cmpi eq, %select_n3A_189, %eq3A_190 : i32
        %select_n3A_192 = arith.constant 195 : i32
        %select_n3A_193 = arith.select %eq3A_191, %select_n3A_192, %select_n3A_189 : i32
        %add3A_194 = arith.addi %select_n3A_193, %mul3A_6 : i32
        %add3A_195 = arith.constant 1 : i32
        %add3A_196 = arith.addi %scan3A_180, %add3A_195 : i32
        %select_n3A_197 = arith.constant true
        %select_n3A_198 = arith.select %select_n3A_197, %add3A_196, %scan3A_180 : i32
        %eq3A_199 = arith.constant 196 : i32
        %eq3A_200 = arith.cmpi eq, %select_n3A_198, %eq3A_199 : i32
        %select_n3A_201 = arith.constant 0 : i32
        %select_n3A_202 = arith.select %eq3A_200, %select_n3A_201, %select_n3A_198 : i32
        %add3A_203 = arith.addi %select_n3A_202, %mul3A_6 : i32
        %add3A_204 = arith.constant 1 : i32
        %add3A_205 = arith.addi %select_n3A_202, %add3A_204 : i32
        %select_n3A_206 = arith.constant true
        %select_n3A_207 = arith.select %select_n3A_206, %add3A_205, %select_n3A_202 : i32
        %eq3A_208 = arith.constant 196 : i32
        %eq3A_209 = arith.cmpi eq, %select_n3A_207, %eq3A_208 : i32
        %select_n3A_210 = arith.constant 0 : i32
        %select_n3A_211 = arith.select %eq3A_209, %select_n3A_210, %select_n3A_207 : i32
        %add3A_212 = arith.addi %select_n3A_211, %mul3A_6 : i32
        %ne3A = arith.cmpi ne, %add3A_185, %add3A_203 : i32
        %or3A = arith.constant false
        %or3A_213 = arith.ori %or3A, %ne3A : i1
        %ge3A = arith.constant 195 : i32
        %ge3A_214 = arith.cmpi sge, %scan3A_171, %ge3A : i32
        %not3A = arith.constant true
        %not3A_215 = arith.xori %ge3A_214, %not3A : i1
        %and3A = arith.andi %or3A_213, %not3A_215 : i1
        %convert_element_type3A = arith.extui %and3A : i1 to i32
        %cond3A = arith.constant 0 : i32
        %cond3A_216 = arith.cmpi ne, %convert_element_type3A, %cond3A : i32
        scf.if %cond3A_216 {
          "tpu.trace_start"() <{level = 10 : i32, message = "ep_copy_in"}> : () -> ()
          %rem3A_422 = arith.constant 2 : i32
          %rem3A_423 = arith.remui %scan3A_172, %rem3A_422 : i32
          %mul3A_424 = arith.constant 128 : i32
          %mul3A_425 = arith.muli %mul3A_424, %add3A_203 : i32
          %dma_start3A_426 = arith.constant 0 : i32
          %dma_start3A_427 = arith.constant 0 : i32
          %dma_start3A_428 = tpu.memref_slice %run_scoped3A[%rem3A_423, %dma_start3A_426, %dma_start3A_427] : memref<2x1x128xi32, #tpu.memory_space<vmem>> -> memref<1x1x128xi32, #tpu.memory_space<vmem>>
          %dma_start3A_429 = tpu.memref_squeeze %dma_start3A_428 : memref<1x1x128xi32, #tpu.memory_space<vmem>> -> memref<1x128xi32, #tpu.memory_space<vmem>>
          %dma_start3A_430 = arith.constant 0 : i32
          %dma_start3A_431 = tpu.memref_slice %arg4[%dma_start3A_430, %mul3A_425] : memref<1x802816xi32, #tpu.memory_space<hbm>> -> memref<1x128xi32, #tpu.memory_space<hbm>>
          %dma_start3A_432 = tpu.memref_slice %run_scoped3A_7[%rem3A_423] : memref<2x!tpu.dma_semaphore, #tpu.memory_space<semaphore_mem>> -> memref<1x!tpu.dma_semaphore, #tpu.memory_space<semaphore_mem>>
          %dma_start3A_433 = tpu.memref_squeeze %dma_start3A_432 : memref<1x!tpu.dma_semaphore, #tpu.memory_space<semaphore_mem>> -> memref<!tpu.dma_semaphore, #tpu.memory_space<semaphore_mem>>
          %dma_start3A_434 = arith.constant 0 : i32
          %dma_start3A_435 = arith.constant 0 : i32
          %dma_start3A_436 = tpu.memref_slice %run_scoped3A[%rem3A_423, %dma_start3A_434, %dma_start3A_435] : memref<2x1x128xi32, #tpu.memory_space<vmem>> -> memref<1x1x128xi32, #tpu.memory_space<vmem>>
          %dma_start3A_437 = tpu.memref_squeeze %dma_start3A_436 : memref<1x1x128xi32, #tpu.memory_space<vmem>> -> memref<1x128xi32, #tpu.memory_space<vmem>>
          %dma_start3A_438 = arith.constant 0 : i32
          %dma_start3A_439 = tpu.memref_slice %arg4[%dma_start3A_438, %mul3A_425] : memref<1x802816xi32, #tpu.memory_space<hbm>> -> memref<1x128xi32, #tpu.memory_space<hbm>>
          tpu.enqueue_dma source(%dma_start3A_439 : memref<1x128xi32, #tpu.memory_space<hbm>>) target(%dma_start3A_437 : memref<1x128xi32, #tpu.memory_space<vmem>>) target_semaphore(%dma_start3A_433 : memref<!tpu.dma_semaphore, #tpu.memory_space<semaphore_mem>>)
          "tpu.trace_stop"() : () -> ()
        } else {
        }
        %and3A_217 = arith.constant true
        %and3A_218 = arith.andi %and3A, %and3A_217 : i1
        %add3A_219 = arith.constant 1 : i32
        %add3A_220 = arith.addi %scan3A_172, %add3A_219 : i32
        %select_n3A_221 = arith.select %and3A_218, %add3A_220, %scan3A_172 : i32
        %ne3A_222 = arith.cmpi ne, %add3A_185, %add3A_203 : i32
        %or3A_223 = arith.constant false
        %or3A_224 = arith.ori %or3A_223, %ne3A_222 : i1
        %ge3A_225 = arith.constant 195 : i32
        %ge3A_226 = arith.cmpi sge, %scan3A_171, %ge3A_225 : i32
        %not3A_227 = arith.constant true
        %not3A_228 = arith.xori %ge3A_226, %not3A_227 : i1
        %and3A_229 = arith.andi %or3A_224, %not3A_228 : i1
        %convert_element_type3A_230 = arith.extui %and3A_229 : i1 to i32
        %cond3A_231 = arith.constant 0 : i32
        %cond3A_232 = arith.cmpi ne, %convert_element_type3A_230, %cond3A_231 : i32
        scf.if %cond3A_232 {
          "tpu.trace_start"() <{level = 10 : i32, message = "ep_copy_in"}> : () -> ()
          %rem3A_422 = arith.constant 2 : i32
          %rem3A_423 = arith.remui %scan3A_174, %rem3A_422 : i32
          %mul3A_424 = arith.constant 128 : i32
          %mul3A_425 = arith.muli %mul3A_424, %add3A_203 : i32
          %dma_start3A_426 = arith.constant 0 : i32
          %dma_start3A_427 = arith.constant 0 : i32
          %dma_start3A_428 = tpu.memref_slice %run_scoped3A_8[%rem3A_423, %dma_start3A_426, %dma_start3A_427] : memref<2x1x128xi32, #tpu.memory_space<vmem>> -> memref<1x1x128xi32, #tpu.memory_space<vmem>>
          %dma_start3A_429 = tpu.memref_squeeze %dma_start3A_428 : memref<1x1x128xi32, #tpu.memory_space<vmem>> -> memref<1x128xi32, #tpu.memory_space<vmem>>
          %dma_start3A_430 = arith.constant 0 : i32
          %dma_start3A_431 = tpu.memref_slice %arg5[%dma_start3A_430, %mul3A_425] : memref<1x802816xi32, #tpu.memory_space<hbm>> -> memref<1x128xi32, #tpu.memory_space<hbm>>
          %dma_start3A_432 = tpu.memref_slice %run_scoped3A_9[%rem3A_423] : memref<2x!tpu.dma_semaphore, #tpu.memory_space<semaphore_mem>> -> memref<1x!tpu.dma_semaphore, #tpu.memory_space<semaphore_mem>>
          %dma_start3A_433 = tpu.memref_squeeze %dma_start3A_432 : memref<1x!tpu.dma_semaphore, #tpu.memory_space<semaphore_mem>> -> memref<!tpu.dma_semaphore, #tpu.memory_space<semaphore_mem>>
          %dma_start3A_434 = arith.constant 0 : i32
          %dma_start3A_435 = arith.constant 0 : i32
          %dma_start3A_436 = tpu.memref_slice %run_scoped3A_8[%rem3A_423, %dma_start3A_434, %dma_start3A_435] : memref<2x1x128xi32, #tpu.memory_space<vmem>> -> memref<1x1x128xi32, #tpu.memory_space<vmem>>
          %dma_start3A_437 = tpu.memref_squeeze %dma_start3A_436 : memref<1x1x128xi32, #tpu.memory_space<vmem>> -> memref<1x128xi32, #tpu.memory_space<vmem>>
          %dma_start3A_438 = arith.constant 0 : i32
          %dma_start3A_439 = tpu.memref_slice %arg5[%dma_start3A_438, %mul3A_425] : memref<1x802816xi32, #tpu.memory_space<hbm>> -> memref<1x128xi32, #tpu.memory_space<hbm>>
          tpu.enqueue_dma source(%dma_start3A_439 : memref<1x128xi32, #tpu.memory_space<hbm>>) target(%dma_start3A_437 : memref<1x128xi32, #tpu.memory_space<vmem>>) target_semaphore(%dma_start3A_433 : memref<!tpu.dma_semaphore, #tpu.memory_space<semaphore_mem>>)
          "tpu.trace_stop"() : () -> ()
        } else {
        }
        %and3A_233 = arith.constant true
        %and3A_234 = arith.andi %and3A_229, %and3A_233 : i1
        %add3A_235 = arith.constant 1 : i32
        %add3A_236 = arith.addi %scan3A_174, %add3A_235 : i32
        %select_n3A_237 = arith.select %and3A_234, %add3A_236, %scan3A_174 : i32
        %ne3A_238 = arith.cmpi ne, %add3A_185, %add3A_203 : i32
        %or3A_239 = arith.constant false
        %or3A_240 = arith.ori %or3A_239, %ne3A_238 : i1
        %or3A_241 = arith.constant false
        %or3A_242 = arith.ori %or3A_240, %or3A_241 : i1
        %ge3A_243 = arith.constant 195 : i32
        %ge3A_244 = arith.cmpi sge, %scan3A_171, %ge3A_243 : i32
        %not3A_245 = arith.constant true
        %not3A_246 = arith.xori %ge3A_244, %not3A_245 : i1
        %and3A_247 = arith.andi %or3A_242, %not3A_246 : i1
        %ne3A_248 = arith.cmpi ne, %add3A_185, %add3A_203 : i32
        %or3A_249 = arith.constant false
        %or3A_250 = arith.ori %or3A_249, %ne3A_248 : i1
        %or3A_251 = arith.constant false
        %or3A_252 = arith.ori %or3A_250, %or3A_251 : i1
        %ge3A_253 = arith.constant 195 : i32
        %ge3A_254 = arith.cmpi sge, %scan3A_171, %ge3A_253 : i32
        %not3A_255 = arith.constant true
        %not3A_256 = arith.xori %ge3A_254, %not3A_255 : i1
        %and3A_257 = arith.andi %or3A_252, %not3A_256 : i1
        %ne3A_258 = arith.cmpi ne, %add3A_185, %add3A_194 : i32
        %or3A_259 = arith.constant false
        %or3A_260 = arith.ori %or3A_259, %ne3A_258 : i1
        %or3A_261 = arith.ori %or3A_260, %eq3A_182 : i1
        %convert_element_type3A_262 = arith.extui %or3A_261 : i1 to i32
        %cond3A_263 = arith.constant 0 : i32
        %cond3A_264 = arith.cmpi ne, %convert_element_type3A_262, %cond3A_263 : i32
        scf.if %cond3A_264 {
          "tpu.trace_start"() <{level = 10 : i32, message = "ep_wait_in"}> : () -> ()
          %mul3A_422 = arith.constant 128 : i32
          %mul3A_423 = arith.muli %mul3A_422, %add3A_185 : i32
          %rem3A_424 = arith.constant 2 : i32
          %rem3A_425 = arith.remui %scan3A_173, %rem3A_424 : i32
          %dma_wait3A_426 = arith.constant 0 : i32
          %dma_wait3A_427 = arith.constant 0 : i32
          %dma_wait3A_428 = tpu.memref_slice %run_scoped3A[%rem3A_425, %dma_wait3A_426, %dma_wait3A_427] : memref<2x1x128xi32, #tpu.memory_space<vmem>> -> memref<1x1x128xi32, #tpu.memory_space<vmem>>
          %dma_wait3A_429 = tpu.memref_squeeze %dma_wait3A_428 : memref<1x1x128xi32, #tpu.memory_space<vmem>> -> memref<1x128xi32, #tpu.memory_space<vmem>>
          %dma_wait3A_430 = arith.constant 0 : i32
          %dma_wait3A_431 = tpu.memref_slice %arg4[%dma_wait3A_430, %mul3A_423] : memref<1x802816xi32, #tpu.memory_space<hbm>> -> memref<1x128xi32, #tpu.memory_space<hbm>>
          %dma_wait3A_432 = tpu.memref_slice %run_scoped3A_7[%rem3A_425] : memref<2x!tpu.dma_semaphore, #tpu.memory_space<semaphore_mem>> -> memref<1x!tpu.dma_semaphore, #tpu.memory_space<semaphore_mem>>
          %dma_wait3A_433 = tpu.memref_squeeze %dma_wait3A_432 : memref<1x!tpu.dma_semaphore, #tpu.memory_space<semaphore_mem>> -> memref<!tpu.dma_semaphore, #tpu.memory_space<semaphore_mem>>
          %dma_wait3A_434 = arith.constant 0 : i32
          %dma_wait3A_435 = arith.constant 0 : i32
          %dma_wait3A_436 = tpu.memref_slice %run_scoped3A[%rem3A_425, %dma_wait3A_434, %dma_wait3A_435] : memref<2x1x128xi32, #tpu.memory_space<vmem>> -> memref<1x1x128xi32, #tpu.memory_space<vmem>>
          %dma_wait3A_437 = tpu.memref_squeeze %dma_wait3A_436 : memref<1x1x128xi32, #tpu.memory_space<vmem>> -> memref<1x128xi32, #tpu.memory_space<vmem>>
          %dma_wait3A_438 = arith.constant 0 : i32
          %dma_wait3A_439 = tpu.memref_slice %arg4[%dma_wait3A_438, %mul3A_423] : memref<1x802816xi32, #tpu.memory_space<hbm>> -> memref<1x128xi32, #tpu.memory_space<hbm>>
          tpu.wait_dma2 semaphore(%dma_wait3A_433 : memref<!tpu.dma_semaphore, #tpu.memory_space<semaphore_mem>>) src(%dma_wait3A_439 : memref<1x128xi32, #tpu.memory_space<hbm>>) dst(%dma_wait3A_437 : memref<1x128xi32, #tpu.memory_space<vmem>>)
          "tpu.trace_stop"() : () -> ()
        } else {
        }
        %ne3A_265 = arith.cmpi ne, %add3A_185, %add3A_194 : i32
        %or3A_266 = arith.constant false
        %or3A_267 = arith.ori %or3A_266, %ne3A_265 : i1
        %or3A_268 = arith.ori %or3A_267, %eq3A_182 : i1
        %convert_element_type3A_269 = arith.extui %or3A_268 : i1 to i32
        %cond3A_270 = arith.constant 0 : i32
        %cond3A_271 = arith.cmpi ne, %convert_element_type3A_269, %cond3A_270 : i32
        scf.if %cond3A_271 {
          "tpu.trace_start"() <{level = 10 : i32, message = "ep_wait_in"}> : () -> ()
          %mul3A_422 = arith.constant 128 : i32
          %mul3A_423 = arith.muli %mul3A_422, %add3A_185 : i32
          %rem3A_424 = arith.constant 2 : i32
          %rem3A_425 = arith.remui %scan3A_175, %rem3A_424 : i32
          %dma_wait3A_426 = arith.constant 0 : i32
          %dma_wait3A_427 = arith.constant 0 : i32
          %dma_wait3A_428 = tpu.memref_slice %run_scoped3A_8[%rem3A_425, %dma_wait3A_426, %dma_wait3A_427] : memref<2x1x128xi32, #tpu.memory_space<vmem>> -> memref<1x1x128xi32, #tpu.memory_space<vmem>>
          %dma_wait3A_429 = tpu.memref_squeeze %dma_wait3A_428 : memref<1x1x128xi32, #tpu.memory_space<vmem>> -> memref<1x128xi32, #tpu.memory_space<vmem>>
          %dma_wait3A_430 = arith.constant 0 : i32
          %dma_wait3A_431 = tpu.memref_slice %arg5[%dma_wait3A_430, %mul3A_423] : memref<1x802816xi32, #tpu.memory_space<hbm>> -> memref<1x128xi32, #tpu.memory_space<hbm>>
          %dma_wait3A_432 = tpu.memref_slice %run_scoped3A_9[%rem3A_425] : memref<2x!tpu.dma_semaphore, #tpu.memory_space<semaphore_mem>> -> memref<1x!tpu.dma_semaphore, #tpu.memory_space<semaphore_mem>>
          %dma_wait3A_433 = tpu.memref_squeeze %dma_wait3A_432 : memref<1x!tpu.dma_semaphore, #tpu.memory_space<semaphore_mem>> -> memref<!tpu.dma_semaphore, #tpu.memory_space<semaphore_mem>>
          %dma_wait3A_434 = arith.constant 0 : i32
          %dma_wait3A_435 = arith.constant 0 : i32
          %dma_wait3A_436 = tpu.memref_slice %run_scoped3A_8[%rem3A_425, %dma_wait3A_434, %dma_wait3A_435] : memref<2x1x128xi32, #tpu.memory_space<vmem>> -> memref<1x1x128xi32, #tpu.memory_space<vmem>>
          %dma_wait3A_437 = tpu.memref_squeeze %dma_wait3A_436 : memref<1x1x128xi32, #tpu.memory_space<vmem>> -> memref<1x128xi32, #tpu.memory_space<vmem>>
          %dma_wait3A_438 = arith.constant 0 : i32
          %dma_wait3A_439 = tpu.memref_slice %arg5[%dma_wait3A_438, %mul3A_423] : memref<1x802816xi32, #tpu.memory_space<hbm>> -> memref<1x128xi32, #tpu.memory_space<hbm>>
          tpu.wait_dma2 semaphore(%dma_wait3A_433 : memref<!tpu.dma_semaphore, #tpu.memory_space<semaphore_mem>>) src(%dma_wait3A_439 : memref<1x128xi32, #tpu.memory_space<hbm>>) dst(%dma_wait3A_437 : memref<1x128xi32, #tpu.memory_space<vmem>>)
          "tpu.trace_stop"() : () -> ()
        } else {
        }
        %ne3A_272 = arith.cmpi ne, %add3A_185, %add3A_194 : i32
        %or3A_273 = arith.constant false
        %or3A_274 = arith.ori %or3A_273, %ne3A_272 : i1
        %or3A_275 = arith.constant false
        %or3A_276 = arith.ori %or3A_274, %or3A_275 : i1
        %or3A_277 = arith.ori %or3A_276, %eq3A_182 : i1
        %convert_element_type3A_278 = arith.extui %or3A_277 : i1 to i32
        %cond3A_279 = arith.constant 0 : i32
        %cond3A_280 = arith.cmpi ne, %convert_element_type3A_278, %cond3A_279 : i32
        scf.if %cond3A_280 {
        } else {
        }
        %ne3A_281 = arith.cmpi ne, %add3A_185, %add3A_194 : i32
        %or3A_282 = arith.constant false
        %or3A_283 = arith.ori %or3A_282, %ne3A_281 : i1
        %or3A_284 = arith.constant false
        %or3A_285 = arith.ori %or3A_283, %or3A_284 : i1
        %or3A_286 = arith.ori %or3A_285, %eq3A_182 : i1
        %convert_element_type3A_287 = arith.extui %or3A_286 : i1 to i32
        %cond3A_288 = arith.constant 0 : i32
        %cond3A_289 = arith.cmpi ne, %convert_element_type3A_287, %cond3A_288 : i32
        scf.if %cond3A_289 {
        } else {
        }
        %rem3A_290 = arith.constant 2 : i32
        %rem3A_291 = arith.remui %scan3A_173, %rem3A_290 : i32
        %rem3A_292 = arith.constant 2 : i32
        %rem3A_293 = arith.remui %scan3A_175, %rem3A_292 : i32
        %rem3A_294 = arith.constant 2 : i32
        %rem3A_295 = arith.remui %scan3A_176, %rem3A_294 : i32
        %rem3A_296 = arith.constant 2 : i32
        %rem3A_297 = arith.remui %scan3A_178, %rem3A_296 : i32
        %run_scoped3A_298 = arith.constant 0 : i32
        "tpu.trace_start"() <{level = 10 : i32, message = "ep_run_kernel"}> : () -> ()
        "tpu.region"() ({
          %run_scoped3A_422 = tpu.sem_alloc : memref<!tpu.dma_semaphore, #tpu.memory_space<semaphore_mem>>
          %dma_start3A_423 = arith.constant 0 : i32
          %dma_start3A_424 = arith.constant 0 : i32
          %dma_start3A_425 = tpu.memref_slice %run_scoped3A_10[%rem3A_295, %dma_start3A_423, %dma_start3A_424] : memref<2x128x128xf32, #tpu.memory_space<vmem>> -> memref<1x128x128xf32, #tpu.memory_space<vmem>>
          %dma_start3A_426 = tpu.memref_squeeze %dma_start3A_425 : memref<1x128x128xf32, #tpu.memory_space<vmem>> -> memref<128x128xf32, #tpu.memory_space<vmem>>
          %dma_start3A_427 = arith.constant 0 : i32
          %dma_start3A_428 = arith.constant 0 : i32
          %dma_start3A_429 = tpu.memref_slice %run_scoped3A[%rem3A_291, %dma_start3A_427, %dma_start3A_428] : memref<2x1x128xi32, #tpu.memory_space<vmem>> -> memref<1x1x128xi32, #tpu.memory_space<vmem>>
          %dma_start3A_430 = tpu.memref_squeeze %dma_start3A_429 : memref<1x1x128xi32, #tpu.memory_space<vmem>> -> memref<1x128xi32, #tpu.memory_space<vmem>>
          %dma_start3A_431 = arith.constant 0 : i32
          %dma_start3A_432 = tpu.memref_slice %dma_start3A_430[%run_scoped3A_298, %dma_start3A_431] : memref<1x128xi32, #tpu.memory_space<vmem>> -> memref<1x128xi32, #tpu.memory_space<vmem>>
          %dma_start3A_433 = tpu.memref_squeeze %dma_start3A_432 : memref<1x128xi32, #tpu.memory_space<vmem>> -> memref<128xi32, #tpu.memory_space<vmem>>
          %dma_start3A_434 = arith.constant 0 : i32
          %dma_start3A_435 = arith.constant 0 : i32
          %dma_start3A_436 = tpu.memref_slice %arg2[%dma_start3A_434, %dma_start3A_435] : memref<51200x128xf32, #tpu.memory_space<hbm>> -> memref<51200x128xf32, #tpu.memory_space<hbm>>
          tpu.enqueue_indirect_dma source(%dma_start3A_436 : memref<51200x128xf32, #tpu.memory_space<hbm>>) target(%dma_start3A_426 : memref<128x128xf32, #tpu.memory_space<vmem>>) offsets(%dma_start3A_433 : memref<128xi32, #tpu.memory_space<vmem>>) semaphore(%run_scoped3A_422 : memref<!tpu.dma_semaphore, #tpu.memory_space<semaphore_mem>>)
          %dma_wait3A_437 = arith.constant 0 : i32
          %dma_wait3A_438 = arith.constant 0 : i32
          %dma_wait3A_439 = tpu.memref_slice %run_scoped3A_10[%rem3A_295, %dma_wait3A_437, %dma_wait3A_438] : memref<2x128x128xf32, #tpu.memory_space<vmem>> -> memref<1x128x128xf32, #tpu.memory_space<vmem>>
          %dma_wait3A_440 = tpu.memref_squeeze %dma_wait3A_439 : memref<1x128x128xf32, #tpu.memory_space<vmem>> -> memref<128x128xf32, #tpu.memory_space<vmem>>
          %dma_wait3A_441 = arith.constant 0 : i32
          %dma_wait3A_442 = arith.constant 0 : i32
          %dma_wait3A_443 = tpu.memref_slice %run_scoped3A[%rem3A_291, %dma_wait3A_441, %dma_wait3A_442] : memref<2x1x128xi32, #tpu.memory_space<vmem>> -> memref<1x1x128xi32, #tpu.memory_space<vmem>>
          %dma_wait3A_444 = tpu.memref_squeeze %dma_wait3A_443 : memref<1x1x128xi32, #tpu.memory_space<vmem>> -> memref<1x128xi32, #tpu.memory_space<vmem>>
          %dma_wait3A_445 = arith.constant 0 : i32
          %dma_wait3A_446 = tpu.memref_slice %dma_wait3A_444[%run_scoped3A_298, %dma_wait3A_445] : memref<1x128xi32, #tpu.memory_space<vmem>> -> memref<1x128xi32, #tpu.memory_space<vmem>>
          %dma_wait3A_447 = tpu.memref_squeeze %dma_wait3A_446 : memref<1x128xi32, #tpu.memory_space<vmem>> -> memref<128xi32, #tpu.memory_space<vmem>>
          %dma_wait3A_448 = arith.constant 0 : i32
          %dma_wait3A_449 = arith.constant 0 : i32
          %dma_wait3A_450 = tpu.memref_slice %arg2[%dma_wait3A_448, %dma_wait3A_449] : memref<51200x128xf32, #tpu.memory_space<hbm>> -> memref<51200x128xf32, #tpu.memory_space<hbm>>
          tpu.wait_indirect_dma semaphore(%run_scoped3A_422 : memref<!tpu.dma_semaphore, #tpu.memory_space<semaphore_mem>>) src(%dma_wait3A_450 : memref<51200x128xf32, #tpu.memory_space<hbm>>) dst(%dma_wait3A_440 : memref<128x128xf32, #tpu.memory_space<vmem>>)
          tpu.yield
        }) : () -> ()
        %run_scoped3A_299 = arith.constant 0 : i32
        "tpu.region"() ({
          %run_scoped3A_422 = tpu.sem_alloc : memref<!tpu.dma_semaphore, #tpu.memory_space<semaphore_mem>>
          %dma_start3A_423 = arith.constant 0 : i32
          %dma_start3A_424 = arith.constant 0 : i32
          %dma_start3A_425 = tpu.memref_slice %run_scoped3A_12[%rem3A_297, %dma_start3A_423, %dma_start3A_424] : memref<2x128x128xf32, #tpu.memory_space<vmem>> -> memref<1x128x128xf32, #tpu.memory_space<vmem>>
          %dma_start3A_426 = tpu.memref_squeeze %dma_start3A_425 : memref<1x128x128xf32, #tpu.memory_space<vmem>> -> memref<128x128xf32, #tpu.memory_space<vmem>>
          %dma_start3A_427 = arith.constant 0 : i32
          %dma_start3A_428 = arith.constant 0 : i32
          %dma_start3A_429 = tpu.memref_slice %run_scoped3A_8[%rem3A_293, %dma_start3A_427, %dma_start3A_428] : memref<2x1x128xi32, #tpu.memory_space<vmem>> -> memref<1x1x128xi32, #tpu.memory_space<vmem>>
          %dma_start3A_430 = tpu.memref_squeeze %dma_start3A_429 : memref<1x1x128xi32, #tpu.memory_space<vmem>> -> memref<1x128xi32, #tpu.memory_space<vmem>>
          %dma_start3A_431 = arith.constant 0 : i32
          %dma_start3A_432 = tpu.memref_slice %dma_start3A_430[%run_scoped3A_299, %dma_start3A_431] : memref<1x128xi32, #tpu.memory_space<vmem>> -> memref<1x128xi32, #tpu.memory_space<vmem>>
          %dma_start3A_433 = tpu.memref_squeeze %dma_start3A_432 : memref<1x128xi32, #tpu.memory_space<vmem>> -> memref<128xi32, #tpu.memory_space<vmem>>
          %dma_start3A_434 = arith.constant 0 : i32
          %dma_start3A_435 = arith.constant 0 : i32
          %dma_start3A_436 = tpu.memref_slice %arg3[%dma_start3A_434, %dma_start3A_435] : memref<51200x128xf32, #tpu.memory_space<hbm>> -> memref<51200x128xf32, #tpu.memory_space<hbm>>
          tpu.enqueue_indirect_dma source(%dma_start3A_436 : memref<51200x128xf32, #tpu.memory_space<hbm>>) target(%dma_start3A_426 : memref<128x128xf32, #tpu.memory_space<vmem>>) offsets(%dma_start3A_433 : memref<128xi32, #tpu.memory_space<vmem>>) semaphore(%run_scoped3A_422 : memref<!tpu.dma_semaphore, #tpu.memory_space<semaphore_mem>>)
          %dma_wait3A_437 = arith.constant 0 : i32
          %dma_wait3A_438 = arith.constant 0 : i32
          %dma_wait3A_439 = tpu.memref_slice %run_scoped3A_12[%rem3A_297, %dma_wait3A_437, %dma_wait3A_438] : memref<2x128x128xf32, #tpu.memory_space<vmem>> -> memref<1x128x128xf32, #tpu.memory_space<vmem>>
          %dma_wait3A_440 = tpu.memref_squeeze %dma_wait3A_439 : memref<1x128x128xf32, #tpu.memory_space<vmem>> -> memref<128x128xf32, #tpu.memory_space<vmem>>
          %dma_wait3A_441 = arith.constant 0 : i32
          %dma_wait3A_442 = arith.constant 0 : i32
          %dma_wait3A_443 = tpu.memref_slice %run_scoped3A_8[%rem3A_293, %dma_wait3A_441, %dma_wait3A_442] : memref<2x1x128xi32, #tpu.memory_space<vmem>> -> memref<1x1x128xi32, #tpu.memory_space<vmem>>
          %dma_wait3A_444 = tpu.memref_squeeze %dma_wait3A_443 : memref<1x1x128xi32, #tpu.memory_space<vmem>> -> memref<1x128xi32, #tpu.memory_space<vmem>>
          %dma_wait3A_445 = arith.constant 0 : i32
          %dma_wait3A_446 = tpu.memref_slice %dma_wait3A_444[%run_scoped3A_299, %dma_wait3A_445] : memref<1x128xi32, #tpu.memory_space<vmem>> -> memref<1x128xi32, #tpu.memory_space<vmem>>
          %dma_wait3A_447 = tpu.memref_squeeze %dma_wait3A_446 : memref<1x128xi32, #tpu.memory_space<vmem>> -> memref<128xi32, #tpu.memory_space<vmem>>
          %dma_wait3A_448 = arith.constant 0 : i32
          %dma_wait3A_449 = arith.constant 0 : i32
          %dma_wait3A_450 = tpu.memref_slice %arg3[%dma_wait3A_448, %dma_wait3A_449] : memref<51200x128xf32, #tpu.memory_space<hbm>> -> memref<51200x128xf32, #tpu.memory_space<hbm>>
          tpu.wait_indirect_dma semaphore(%run_scoped3A_422 : memref<!tpu.dma_semaphore, #tpu.memory_space<semaphore_mem>>) src(%dma_wait3A_450 : memref<51200x128xf32, #tpu.memory_space<hbm>>) dst(%dma_wait3A_440 : memref<128x128xf32, #tpu.memory_space<vmem>>)
          tpu.yield
        }) : () -> ()
        "tpu.trace_stop"() : () -> ()
        %ne3A_300 = arith.cmpi ne, %add3A_185, %add3A_203 : i32
        %or3A_301 = arith.constant false
        %or3A_302 = arith.ori %or3A_301, %ne3A_300 : i1
        %or3A_303 = arith.ori %or3A_302, %eq3A_184 : i1
        %convert_element_type3A_304 = arith.extui %or3A_303 : i1 to i32
        %cond3A_305 = arith.constant 0 : i32
        %cond3A_306 = arith.cmpi ne, %convert_element_type3A_304, %cond3A_305 : i32
        scf.if %cond3A_306 {
        } else {
        }
        %and3A_307 = arith.constant false
        %and3A_308 = arith.andi %or3A_303, %and3A_307 : i1
        %ne3A_309 = arith.cmpi ne, %add3A_185, %add3A_203 : i32
        %or3A_310 = arith.constant false
        %or3A_311 = arith.ori %or3A_310, %ne3A_309 : i1
        %or3A_312 = arith.ori %or3A_311, %eq3A_184 : i1
        %convert_element_type3A_313 = arith.extui %or3A_312 : i1 to i32
        %cond3A_314 = arith.constant 0 : i32
        %cond3A_315 = arith.cmpi ne, %convert_element_type3A_313, %cond3A_314 : i32
        scf.if %cond3A_315 {
        } else {
        }
        %and3A_316 = arith.constant false
        %and3A_317 = arith.andi %or3A_312, %and3A_316 : i1
        %ne3A_318 = arith.cmpi ne, %add3A_185, %add3A_203 : i32
        %or3A_319 = arith.constant false
        %or3A_320 = arith.ori %or3A_319, %ne3A_318 : i1
        %or3A_321 = arith.constant false
        %or3A_322 = arith.ori %or3A_320, %or3A_321 : i1
        %or3A_323 = arith.ori %or3A_322, %eq3A_184 : i1
        %convert_element_type3A_324 = arith.extui %or3A_323 : i1 to i32
        %cond3A_325 = arith.constant 0 : i32
        %cond3A_326 = arith.cmpi ne, %convert_element_type3A_324, %cond3A_325 : i32
        scf.if %cond3A_326 {
          "tpu.trace_start"() <{level = 10 : i32, message = "ep_copy_out"}> : () -> ()
          %rem3A_422 = arith.constant 2 : i32
          %rem3A_423 = arith.remui %scan3A_176, %rem3A_422 : i32
          %mul3A_424 = arith.constant 128 : i32
          %mul3A_425 = arith.muli %mul3A_424, %add3A_185 : i32
          %dma_start3A_426 = arith.constant 0 : i32
          %dma_start3A_427 = arith.constant 0 : i32
          %dma_start3A_428 = tpu.memref_slice %run_scoped3A_10[%rem3A_423, %dma_start3A_426, %dma_start3A_427] : memref<2x128x128xf32, #tpu.memory_space<vmem>> -> memref<1x128x128xf32, #tpu.memory_space<vmem>>
          %dma_start3A_429 = tpu.memref_squeeze %dma_start3A_428 : memref<1x128x128xf32, #tpu.memory_space<vmem>> -> memref<128x128xf32, #tpu.memory_space<vmem>>
          %dma_start3A_430 = arith.constant 0 : i32
          %dma_start3A_431 = tpu.memref_slice %arg6[%mul3A_425, %dma_start3A_430] : memref<802816x128xf32, #tpu.memory_space<hbm>> -> memref<128x128xf32, #tpu.memory_space<hbm>>
          %dma_start3A_432 = tpu.memref_slice %run_scoped3A_11[%rem3A_423] : memref<2x!tpu.dma_semaphore, #tpu.memory_space<semaphore_mem>> -> memref<1x!tpu.dma_semaphore, #tpu.memory_space<semaphore_mem>>
          %dma_start3A_433 = tpu.memref_squeeze %dma_start3A_432 : memref<1x!tpu.dma_semaphore, #tpu.memory_space<semaphore_mem>> -> memref<!tpu.dma_semaphore, #tpu.memory_space<semaphore_mem>>
          %dma_start3A_434 = arith.constant 0 : i32
          %dma_start3A_435 = tpu.memref_slice %arg6[%mul3A_425, %dma_start3A_434] : memref<802816x128xf32, #tpu.memory_space<hbm>> -> memref<128x128xf32, #tpu.memory_space<hbm>>
          %dma_start3A_436 = arith.constant 0 : i32
          %dma_start3A_437 = arith.constant 0 : i32
          %dma_start3A_438 = tpu.memref_slice %run_scoped3A_10[%rem3A_423, %dma_start3A_436, %dma_start3A_437] : memref<2x128x128xf32, #tpu.memory_space<vmem>> -> memref<1x128x128xf32, #tpu.memory_space<vmem>>
          %dma_start3A_439 = tpu.memref_squeeze %dma_start3A_438 : memref<1x128x128xf32, #tpu.memory_space<vmem>> -> memref<128x128xf32, #tpu.memory_space<vmem>>
          tpu.enqueue_dma source(%dma_start3A_439 : memref<128x128xf32, #tpu.memory_space<vmem>>) target(%dma_start3A_435 : memref<128x128xf32, #tpu.memory_space<hbm>>) target_semaphore(%dma_start3A_433 : memref<!tpu.dma_semaphore, #tpu.memory_space<semaphore_mem>>)
          "tpu.trace_stop"() : () -> ()
        } else {
        }
        %and3A_327 = arith.constant true
        %and3A_328 = arith.andi %or3A_323, %and3A_327 : i1
        %add3A_329 = arith.constant 1 : i32
        %add3A_330 = arith.addi %scan3A_176, %add3A_329 : i32
        %select_n3A_331 = arith.select %and3A_328, %add3A_330, %scan3A_176 : i32
        %ne3A_332 = arith.cmpi ne, %add3A_185, %add3A_203 : i32
        %or3A_333 = arith.constant false
        %or3A_334 = arith.ori %or3A_333, %ne3A_332 : i1
        %or3A_335 = arith.constant false
        %or3A_336 = arith.ori %or3A_334, %or3A_335 : i1
        %or3A_337 = arith.ori %or3A_336, %eq3A_184 : i1
        %convert_element_type3A_338 = arith.extui %or3A_337 : i1 to i32
        %cond3A_339 = arith.constant 0 : i32
        %cond3A_340 = arith.cmpi ne, %convert_element_type3A_338, %cond3A_339 : i32
        scf.if %cond3A_340 {
          "tpu.trace_start"() <{level = 10 : i32, message = "ep_copy_out"}> : () -> ()
          %rem3A_422 = arith.constant 2 : i32
          %rem3A_423 = arith.remui %scan3A_178, %rem3A_422 : i32
          %mul3A_424 = arith.constant 128 : i32
          %mul3A_425 = arith.muli %mul3A_424, %add3A_185 : i32
          %dma_start3A_426 = arith.constant 0 : i32
          %dma_start3A_427 = arith.constant 0 : i32
          %dma_start3A_428 = tpu.memref_slice %run_scoped3A_12[%rem3A_423, %dma_start3A_426, %dma_start3A_427] : memref<2x128x128xf32, #tpu.memory_space<vmem>> -> memref<1x128x128xf32, #tpu.memory_space<vmem>>
          %dma_start3A_429 = tpu.memref_squeeze %dma_start3A_428 : memref<1x128x128xf32, #tpu.memory_space<vmem>> -> memref<128x128xf32, #tpu.memory_space<vmem>>
          %dma_start3A_430 = arith.constant 0 : i32
          %dma_start3A_431 = tpu.memref_slice %arg7[%mul3A_425, %dma_start3A_430] : memref<802816x128xf32, #tpu.memory_space<hbm>> -> memref<128x128xf32, #tpu.memory_space<hbm>>
          %dma_start3A_432 = tpu.memref_slice %run_scoped3A_13[%rem3A_423] : memref<2x!tpu.dma_semaphore, #tpu.memory_space<semaphore_mem>> -> memref<1x!tpu.dma_semaphore, #tpu.memory_space<semaphore_mem>>
          %dma_start3A_433 = tpu.memref_squeeze %dma_start3A_432 : memref<1x!tpu.dma_semaphore, #tpu.memory_space<semaphore_mem>> -> memref<!tpu.dma_semaphore, #tpu.memory_space<semaphore_mem>>
          %dma_start3A_434 = arith.constant 0 : i32
          %dma_start3A_435 = tpu.memref_slice %arg7[%mul3A_425, %dma_start3A_434] : memref<802816x128xf32, #tpu.memory_space<hbm>> -> memref<128x128xf32, #tpu.memory_space<hbm>>
          %dma_start3A_436 = arith.constant 0 : i32
          %dma_start3A_437 = arith.constant 0 : i32
          %dma_start3A_438 = tpu.memref_slice %run_scoped3A_12[%rem3A_423, %dma_start3A_436, %dma_start3A_437] : memref<2x128x128xf32, #tpu.memory_space<vmem>> -> memref<1x128x128xf32, #tpu.memory_space<vmem>>
          %dma_start3A_439 = tpu.memref_squeeze %dma_start3A_438 : memref<1x128x128xf32, #tpu.memory_space<vmem>> -> memref<128x128xf32, #tpu.memory_space<vmem>>
          tpu.enqueue_dma source(%dma_start3A_439 : memref<128x128xf32, #tpu.memory_space<vmem>>) target(%dma_start3A_435 : memref<128x128xf32, #tpu.memory_space<hbm>>) target_semaphore(%dma_start3A_433 : memref<!tpu.dma_semaphore, #tpu.memory_space<semaphore_mem>>)
          "tpu.trace_stop"() : () -> ()
        } else {
        }
        %and3A_341 = arith.constant true
        %and3A_342 = arith.andi %or3A_337, %and3A_341 : i1
        %add3A_343 = arith.constant 1 : i32
        %add3A_344 = arith.addi %scan3A_178, %add3A_343 : i32
        %select_n3A_345 = arith.select %and3A_342, %add3A_344, %scan3A_178 : i32
        %ne3A_346 = arith.cmpi ne, %add3A_185, %add3A_194 : i32
        %or3A_347 = arith.constant false
        %or3A_348 = arith.ori %or3A_347, %ne3A_346 : i1
        %not3A_349 = arith.constant true
        %not3A_350 = arith.xori %eq3A_182, %not3A_349 : i1
        %and3A_351 = arith.andi %or3A_348, %not3A_350 : i1
        %convert_element_type3A_352 = arith.extui %and3A_351 : i1 to i32
        %cond3A_353 = arith.constant 0 : i32
        %cond3A_354 = arith.cmpi ne, %convert_element_type3A_352, %cond3A_353 : i32
        scf.if %cond3A_354 {
        } else {
        }
        %and3A_355 = arith.constant false
        %and3A_356 = arith.andi %and3A_351, %and3A_355 : i1
        %ne3A_357 = arith.cmpi ne, %add3A_185, %add3A_194 : i32
        %or3A_358 = arith.constant false
        %or3A_359 = arith.ori %or3A_358, %ne3A_357 : i1
        %not3A_360 = arith.constant true
        %not3A_361 = arith.xori %eq3A_182, %not3A_360 : i1
        %and3A_362 = arith.andi %or3A_359, %not3A_361 : i1
        %convert_element_type3A_363 = arith.extui %and3A_362 : i1 to i32
        %cond3A_364 = arith.constant 0 : i32
        %cond3A_365 = arith.cmpi ne, %convert_element_type3A_363, %cond3A_364 : i32
        scf.if %cond3A_365 {
        } else {
        }
        %and3A_366 = arith.constant false
        %and3A_367 = arith.andi %and3A_362, %and3A_366 : i1
        %ne3A_368 = arith.cmpi ne, %add3A_185, %add3A_194 : i32
        %or3A_369 = arith.constant false
        %or3A_370 = arith.ori %or3A_369, %ne3A_368 : i1
        %or3A_371 = arith.constant false
        %or3A_372 = arith.ori %or3A_370, %or3A_371 : i1
        %not3A_373 = arith.constant true
        %not3A_374 = arith.xori %eq3A_182, %not3A_373 : i1
        %and3A_375 = arith.andi %or3A_372, %not3A_374 : i1
        %convert_element_type3A_376 = arith.extui %and3A_375 : i1 to i32
        %cond3A_377 = arith.constant 0 : i32
        %cond3A_378 = arith.cmpi ne, %convert_element_type3A_376, %cond3A_377 : i32
        scf.if %cond3A_378 {
          "tpu.trace_start"() <{level = 10 : i32, message = "ep_wait_out"}> : () -> ()
          %rem3A_422 = arith.constant 2 : i32
          %rem3A_423 = arith.remui %scan3A_177, %rem3A_422 : i32
          %mul3A_424 = arith.constant 128 : i32
          %mul3A_425 = arith.muli %mul3A_424, %add3A_194 : i32
          %dma_wait3A_426 = arith.constant 0 : i32
          %dma_wait3A_427 = arith.constant 0 : i32
          %dma_wait3A_428 = tpu.memref_slice %run_scoped3A_10[%rem3A_423, %dma_wait3A_426, %dma_wait3A_427] : memref<2x128x128xf32, #tpu.memory_space<vmem>> -> memref<1x128x128xf32, #tpu.memory_space<vmem>>
          %dma_wait3A_429 = tpu.memref_squeeze %dma_wait3A_428 : memref<1x128x128xf32, #tpu.memory_space<vmem>> -> memref<128x128xf32, #tpu.memory_space<vmem>>
          %dma_wait3A_430 = arith.constant 0 : i32
          %dma_wait3A_431 = tpu.memref_slice %arg6[%mul3A_425, %dma_wait3A_430] : memref<802816x128xf32, #tpu.memory_space<hbm>> -> memref<128x128xf32, #tpu.memory_space<hbm>>
          %dma_wait3A_432 = tpu.memref_slice %run_scoped3A_11[%rem3A_423] : memref<2x!tpu.dma_semaphore, #tpu.memory_space<semaphore_mem>> -> memref<1x!tpu.dma_semaphore, #tpu.memory_space<semaphore_mem>>
          %dma_wait3A_433 = tpu.memref_squeeze %dma_wait3A_432 : memref<1x!tpu.dma_semaphore, #tpu.memory_space<semaphore_mem>> -> memref<!tpu.dma_semaphore, #tpu.memory_space<semaphore_mem>>
          %dma_wait3A_434 = arith.constant 0 : i32
          %dma_wait3A_435 = tpu.memref_slice %arg6[%mul3A_425, %dma_wait3A_434] : memref<802816x128xf32, #tpu.memory_space<hbm>> -> memref<128x128xf32, #tpu.memory_space<hbm>>
          %dma_wait3A_436 = arith.constant 0 : i32
          %dma_wait3A_437 = arith.constant 0 : i32
          %dma_wait3A_438 = tpu.memref_slice %run_scoped3A_10[%rem3A_423, %dma_wait3A_436, %dma_wait3A_437] : memref<2x128x128xf32, #tpu.memory_space<vmem>> -> memref<1x128x128xf32, #tpu.memory_space<vmem>>
          %dma_wait3A_439 = tpu.memref_squeeze %dma_wait3A_438 : memref<1x128x128xf32, #tpu.memory_space<vmem>> -> memref<128x128xf32, #tpu.memory_space<vmem>>
          tpu.wait_dma2 semaphore(%dma_wait3A_433 : memref<!tpu.dma_semaphore, #tpu.memory_space<semaphore_mem>>) src(%dma_wait3A_439 : memref<128x128xf32, #tpu.memory_space<vmem>>) dst(%dma_wait3A_435 : memref<128x128xf32, #tpu.memory_space<hbm>>)
          "tpu.trace_stop"() : () -> ()
        } else {
        }
        %and3A_379 = arith.constant true
        %and3A_380 = arith.andi %and3A_375, %and3A_379 : i1
        %add3A_381 = arith.constant 1 : i32
        %add3A_382 = arith.addi %scan3A_177, %add3A_381 : i32
        %select_n3A_383 = arith.select %and3A_380, %add3A_382, %scan3A_177 : i32
        %ne3A_384 = arith.cmpi ne, %add3A_185, %add3A_194 : i32
        %or3A_385 = arith.constant false
        %or3A_386 = arith.ori %or3A_385, %ne3A_384 : i1
        %or3A_387 = arith.constant false
        %or3A_388 = arith.ori %or3A_386, %or3A_387 : i1
        %not3A_389 = arith.constant true
        %not3A_390 = arith.xori %eq3A_182, %not3A_389 : i1
        %and3A_391 = arith.andi %or3A_388, %not3A_390 : i1
        %convert_element_type3A_392 = arith.extui %and3A_391 : i1 to i32
        %cond3A_393 = arith.constant 0 : i32
        %cond3A_394 = arith.cmpi ne, %convert_element_type3A_392, %cond3A_393 : i32
        scf.if %cond3A_394 {
          "tpu.trace_start"() <{level = 10 : i32, message = "ep_wait_out"}> : () -> ()
          %rem3A_422 = arith.constant 2 : i32
          %rem3A_423 = arith.remui %scan3A_179, %rem3A_422 : i32
          %mul3A_424 = arith.constant 128 : i32
          %mul3A_425 = arith.muli %mul3A_424, %add3A_194 : i32
          %dma_wait3A_426 = arith.constant 0 : i32
          %dma_wait3A_427 = arith.constant 0 : i32
          %dma_wait3A_428 = tpu.memref_slice %run_scoped3A_12[%rem3A_423, %dma_wait3A_426, %dma_wait3A_427] : memref<2x128x128xf32, #tpu.memory_space<vmem>> -> memref<1x128x128xf32, #tpu.memory_space<vmem>>
          %dma_wait3A_429 = tpu.memref_squeeze %dma_wait3A_428 : memref<1x128x128xf32, #tpu.memory_space<vmem>> -> memref<128x128xf32, #tpu.memory_space<vmem>>
          %dma_wait3A_430 = arith.constant 0 : i32
          %dma_wait3A_431 = tpu.memref_slice %arg7[%mul3A_425, %dma_wait3A_430] : memref<802816x128xf32, #tpu.memory_space<hbm>> -> memref<128x128xf32, #tpu.memory_space<hbm>>
          %dma_wait3A_432 = tpu.memref_slice %run_scoped3A_13[%rem3A_423] : memref<2x!tpu.dma_semaphore, #tpu.memory_space<semaphore_mem>> -> memref<1x!tpu.dma_semaphore, #tpu.memory_space<semaphore_mem>>
          %dma_wait3A_433 = tpu.memref_squeeze %dma_wait3A_432 : memref<1x!tpu.dma_semaphore, #tpu.memory_space<semaphore_mem>> -> memref<!tpu.dma_semaphore, #tpu.memory_space<semaphore_mem>>
          %dma_wait3A_434 = arith.constant 0 : i32
          %dma_wait3A_435 = tpu.memref_slice %arg7[%mul3A_425, %dma_wait3A_434] : memref<802816x128xf32, #tpu.memory_space<hbm>> -> memref<128x128xf32, #tpu.memory_space<hbm>>
          %dma_wait3A_436 = arith.constant 0 : i32
          %dma_wait3A_437 = arith.constant 0 : i32
          %dma_wait3A_438 = tpu.memref_slice %run_scoped3A_12[%rem3A_423, %dma_wait3A_436, %dma_wait3A_437] : memref<2x128x128xf32, #tpu.memory_space<vmem>> -> memref<1x128x128xf32, #tpu.memory_space<vmem>>
          %dma_wait3A_439 = tpu.memref_squeeze %dma_wait3A_438 : memref<1x128x128xf32, #tpu.memory_space<vmem>> -> memref<128x128xf32, #tpu.memory_space<vmem>>
          tpu.wait_dma2 semaphore(%dma_wait3A_433 : memref<!tpu.dma_semaphore, #tpu.memory_space<semaphore_mem>>) src(%dma_wait3A_439 : memref<128x128xf32, #tpu.memory_space<vmem>>) dst(%dma_wait3A_435 : memref<128x128xf32, #tpu.memory_space<hbm>>)
          "tpu.trace_stop"() : () -> ()
        } else {
        }
        %and3A_395 = arith.constant true
        %and3A_396 = arith.andi %and3A_391, %and3A_395 : i1
        %add3A_397 = arith.constant 1 : i32
        %add3A_398 = arith.addi %scan3A_179, %add3A_397 : i32
        %select_n3A_399 = arith.select %and3A_396, %add3A_398, %scan3A_179 : i32
        %ne3A_400 = arith.cmpi ne, %add3A_185, %add3A_203 : i32
        %or3A_401 = arith.constant false
        %or3A_402 = arith.ori %or3A_401, %ne3A_400 : i1
        %or3A_403 = arith.ori %or3A_402, %eq3A_184 : i1
        %add3A_404 = arith.constant 1 : i32
        %add3A_405 = arith.addi %scan3A_173, %add3A_404 : i32
        %select_n3A_406 = arith.select %or3A_403, %add3A_405, %scan3A_173 : i32
        %ne3A_407 = arith.cmpi ne, %add3A_185, %add3A_203 : i32
        %or3A_408 = arith.constant false
        %or3A_409 = arith.ori %or3A_408, %ne3A_407 : i1
        %or3A_410 = arith.ori %or3A_409, %eq3A_184 : i1
        %add3A_411 = arith.constant 1 : i32
        %add3A_412 = arith.addi %scan3A_175, %add3A_411 : i32
        %select_n3A_413 = arith.select %or3A_410, %add3A_412, %scan3A_175 : i32
        %add3A_414 = arith.constant 1 : i32
        %add3A_415 = arith.addi %scan3A_180, %add3A_414 : i32
        %select_n3A_416 = arith.constant true
        %select_n3A_417 = arith.select %select_n3A_416, %add3A_415, %scan3A_180 : i32
        %eq3A_418 = arith.constant 196 : i32
        %eq3A_419 = arith.cmpi eq, %select_n3A_417, %eq3A_418 : i32
        %select_n3A_420 = arith.constant 0 : i32
        %select_n3A_421 = arith.select %eq3A_419, %select_n3A_420, %select_n3A_417 : i32
        scf.yield %select_n3A_221, %select_n3A_406, %select_n3A_237, %select_n3A_413, %select_n3A_331, %select_n3A_383, %select_n3A_345, %select_n3A_399, %select_n3A_421 : i32, i32, i32, i32, i32, i32, i32, i32, i32
      }
      %scan3A_100 = arith.constant 196 : i32
      %sub3A = arith.constant 1 : i32
      %sub3A_101 = arith.subi %scan3A_99#8, %sub3A : i32
      %select_n3A_102 = arith.constant true
      %select_n3A_103 = arith.select %select_n3A_102, %sub3A_101, %scan3A_99#8 : i32
      %eq3A_104 = arith.constant -1 : i32
      %eq3A_105 = arith.cmpi eq, %select_n3A_103, %eq3A_104 : i32
      %select_n3A_106 = arith.constant 195 : i32
      %select_n3A_107 = arith.select %eq3A_105, %select_n3A_106, %select_n3A_103 : i32
      %add3A_108 = arith.addi %select_n3A_107, %mul3A_6 : i32
      %sub3A_109 = arith.constant 1 : i32
      %sub3A_110 = arith.subi %select_n3A_107, %sub3A_109 : i32
      %select_n3A_111 = arith.constant true
      %select_n3A_112 = arith.select %select_n3A_111, %sub3A_110, %select_n3A_107 : i32
      %eq3A_113 = arith.constant -1 : i32
      %eq3A_114 = arith.cmpi eq, %select_n3A_112, %eq3A_113 : i32
      %select_n3A_115 = arith.constant 195 : i32
      %select_n3A_116 = arith.select %eq3A_114, %select_n3A_115, %select_n3A_112 : i32
      %add3A_117 = arith.addi %select_n3A_116, %mul3A_6 : i32
      %add3A_118 = arith.constant 1 : i32
      %add3A_119 = arith.addi %select_n3A_107, %add3A_118 : i32
      %select_n3A_120 = arith.constant true
      %select_n3A_121 = arith.select %select_n3A_120, %add3A_119, %select_n3A_107 : i32
      %eq3A_122 = arith.constant 196 : i32
      %eq3A_123 = arith.cmpi eq, %select_n3A_121, %eq3A_122 : i32
      %select_n3A_124 = arith.constant 0 : i32
      %select_n3A_125 = arith.select %eq3A_123, %select_n3A_124, %select_n3A_121 : i32
      %add3A_126 = arith.addi %select_n3A_125, %mul3A_6 : i32
      %add3A_127 = arith.constant 1 : i32
      %add3A_128 = arith.addi %select_n3A_125, %add3A_127 : i32
      %select_n3A_129 = arith.constant true
      %select_n3A_130 = arith.select %select_n3A_129, %add3A_128, %select_n3A_125 : i32
      %eq3A_131 = arith.constant 196 : i32
      %eq3A_132 = arith.cmpi eq, %select_n3A_130, %eq3A_131 : i32
      %select_n3A_133 = arith.constant 0 : i32
      %select_n3A_134 = arith.select %eq3A_132, %select_n3A_133, %select_n3A_130 : i32
      %add3A_135 = arith.addi %select_n3A_134, %mul3A_6 : i32
      "tpu.trace_start"() <{level = 10 : i32, message = "ep_finalize"}> : () -> ()
      %rem3A_136 = arith.constant 2 : i32
      %rem3A_137 = arith.remui %scan3A_99#5, %rem3A_136 : i32
      %mul3A_138 = arith.constant 128 : i32
      %mul3A_139 = arith.muli %mul3A_138, %add3A_108 : i32
      %dma_wait3A = arith.constant 0 : i32
      %dma_wait3A_140 = arith.constant 0 : i32
      %dma_wait3A_141 = tpu.memref_slice %run_scoped3A_10[%rem3A_137, %dma_wait3A, %dma_wait3A_140] : memref<2x128x128xf32, #tpu.memory_space<vmem>> -> memref<1x128x128xf32, #tpu.memory_space<vmem>>
      %dma_wait3A_142 = tpu.memref_squeeze %dma_wait3A_141 : memref<1x128x128xf32, #tpu.memory_space<vmem>> -> memref<128x128xf32, #tpu.memory_space<vmem>>
      %dma_wait3A_143 = arith.constant 0 : i32
      %dma_wait3A_144 = tpu.memref_slice %arg6[%mul3A_139, %dma_wait3A_143] : memref<802816x128xf32, #tpu.memory_space<hbm>> -> memref<128x128xf32, #tpu.memory_space<hbm>>
      %dma_wait3A_145 = tpu.memref_slice %run_scoped3A_11[%rem3A_137] : memref<2x!tpu.dma_semaphore, #tpu.memory_space<semaphore_mem>> -> memref<1x!tpu.dma_semaphore, #tpu.memory_space<semaphore_mem>>
      %dma_wait3A_146 = tpu.memref_squeeze %dma_wait3A_145 : memref<1x!tpu.dma_semaphore, #tpu.memory_space<semaphore_mem>> -> memref<!tpu.dma_semaphore, #tpu.memory_space<semaphore_mem>>
      %dma_wait3A_147 = arith.constant 0 : i32
      %dma_wait3A_148 = tpu.memref_slice %arg6[%mul3A_139, %dma_wait3A_147] : memref<802816x128xf32, #tpu.memory_space<hbm>> -> memref<128x128xf32, #tpu.memory_space<hbm>>
      %dma_wait3A_149 = arith.constant 0 : i32
      %dma_wait3A_150 = arith.constant 0 : i32
      %dma_wait3A_151 = tpu.memref_slice %run_scoped3A_10[%rem3A_137, %dma_wait3A_149, %dma_wait3A_150] : memref<2x128x128xf32, #tpu.memory_space<vmem>> -> memref<1x128x128xf32, #tpu.memory_space<vmem>>
      %dma_wait3A_152 = tpu.memref_squeeze %dma_wait3A_151 : memref<1x128x128xf32, #tpu.memory_space<vmem>> -> memref<128x128xf32, #tpu.memory_space<vmem>>
      tpu.wait_dma2 semaphore(%dma_wait3A_146 : memref<!tpu.dma_semaphore, #tpu.memory_space<semaphore_mem>>) src(%dma_wait3A_152 : memref<128x128xf32, #tpu.memory_space<vmem>>) dst(%dma_wait3A_148 : memref<128x128xf32, #tpu.memory_space<hbm>>)
      %rem3A_153 = arith.constant 2 : i32
      %rem3A_154 = arith.remui %scan3A_99#7, %rem3A_153 : i32
      %mul3A_155 = arith.constant 128 : i32
      %mul3A_156 = arith.muli %mul3A_155, %add3A_108 : i32
      %dma_wait3A_157 = arith.constant 0 : i32
      %dma_wait3A_158 = arith.constant 0 : i32
      %dma_wait3A_159 = tpu.memref_slice %run_scoped3A_12[%rem3A_154, %dma_wait3A_157, %dma_wait3A_158] : memref<2x128x128xf32, #tpu.memory_space<vmem>> -> memref<1x128x128xf32, #tpu.memory_space<vmem>>
      %dma_wait3A_160 = tpu.memref_squeeze %dma_wait3A_159 : memref<1x128x128xf32, #tpu.memory_space<vmem>> -> memref<128x128xf32, #tpu.memory_space<vmem>>
      %dma_wait3A_161 = arith.constant 0 : i32
      %dma_wait3A_162 = tpu.memref_slice %arg7[%mul3A_156, %dma_wait3A_161] : memref<802816x128xf32, #tpu.memory_space<hbm>> -> memref<128x128xf32, #tpu.memory_space<hbm>>
      %dma_wait3A_163 = tpu.memref_slice %run_scoped3A_13[%rem3A_154] : memref<2x!tpu.dma_semaphore, #tpu.memory_space<semaphore_mem>> -> memref<1x!tpu.dma_semaphore, #tpu.memory_space<semaphore_mem>>
      %dma_wait3A_164 = tpu.memref_squeeze %dma_wait3A_163 : memref<1x!tpu.dma_semaphore, #tpu.memory_space<semaphore_mem>> -> memref<!tpu.dma_semaphore, #tpu.memory_space<semaphore_mem>>
      %dma_wait3A_165 = arith.constant 0 : i32
      %dma_wait3A_166 = tpu.memref_slice %arg7[%mul3A_156, %dma_wait3A_165] : memref<802816x128xf32, #tpu.memory_space<hbm>> -> memref<128x128xf32, #tpu.memory_space<hbm>>
      %dma_wait3A_167 = arith.constant 0 : i32
      %dma_wait3A_168 = arith.constant 0 : i32
      %dma_wait3A_169 = tpu.memref_slice %run_scoped3A_12[%rem3A_154, %dma_wait3A_167, %dma_wait3A_168] : memref<2x128x128xf32, #tpu.memory_space<vmem>> -> memref<1x128x128xf32, #tpu.memory_space<vmem>>
      %dma_wait3A_170 = tpu.memref_squeeze %dma_wait3A_169 : memref<1x128x128xf32, #tpu.memory_space<vmem>> -> memref<128x128xf32, #tpu.memory_space<vmem>>
      tpu.wait_dma2 semaphore(%dma_wait3A_164 : memref<!tpu.dma_semaphore, #tpu.memory_space<semaphore_mem>>) src(%dma_wait3A_170 : memref<128x128xf32, #tpu.memory_space<vmem>>) dst(%dma_wait3A_166 : memref<128x128xf32, #tpu.memory_space<hbm>>)
      "tpu.trace_stop"() : () -> ()
      tpu.yield
    }) : () -> ()
    return
  }
}

</mosaic_0001>

<sc_bundles>
// kernel: _sc_gather.3.cloned.1.call-start
scs
__scs_entry_jumppad:
0x0: {  	(pc) =	sbr.rel $0x88, $3  }
0x1: {  	(tag) =	ssettag $0x0;
	lr =	simm.s32 $0x1  }
0x2: {  	[smem:$0x3F9D] =	sst lr;
	_ =	strace $0xD0000000  }
0x3: {  	_ = 	snop  }
0x4: {  	_ = 	snop  }
0x5: {  	_ = 	snop  }
0x6: {  	_ = 	snop  }
0x7: {  	_ = 	snop  }
__scs_overlays_trampoline_lowered:
0x8: {  	[smem:$0x3FAC] =	sst s0  }
0x9: {  	[smem:$0x3FAD] =	sst s1  }
0xa: {  	[smem:$0x3FAE] =	sst s2  }
0xb: {  	[smem:$0x3FAF] =	sst s3  }
0xc: {  	[smem:$0x3FB0] =	sst s4  }
0xd: {  	[smem:$0x3FB1] =	sst s5  }
0xe: {  	[smem:$0x3FB2] =	sst s6  }
0xf: {  	[smem:$0x3FB3] =	sst s7  }
0x10: {  	[smem:$0x3FB4] =	sst s8  }
0x11: {  	[smem:$0x3FB5] =	sst s9;
	s0 =	simm.s32 @!p0 $0x0  }
0x12: {  	s1 =	sld [smem:$0x3F9B];
	s0 =	simm.s32 @p0 $0x1  }
0x13: {  	[smem:$0x3FB6] =	sst s0;
	s0 =	simm.s32 @!p1 $0x0  }
0x14: {  	s2 =	sld [smem:$0x3F9A];
	s0 =	simm.s32 @p1 $0x1  }
0x15: {  	[smem:$0x3FB7] =	sst s0;
	s0 =	simm.s32 @!p2 $0x0  }
0x16: {  	s3 =	sld [smem:$0x3FDB];
	s0 =	simm.s32 @p2 $0x1  }
0x17: {  	s4 =	simm.s32 $0x1BF5;
	[smem:$0x3FB9] =	sst s0  }
0x18: {  	s0 =	sld [smem:$0x3F9C];
	_ =	swait.ge [sflag:s4], $0x0  }
0x19: {  	s7 =	sld [smem:$0x3F9D]  }
0x1a: {  	s8 =	sadd.s32 $0xFFFFE003, lr  }
0x1b: {  	s9 =	sadd.s32 $0xFFFFFEF7, lr;
	s5 =	simm.s32 $0xFFFFFFFF;
	p2 =	slt.u32 s8, $0xFFFFF086  }
0x1c: {  	p1 =	slt.u32 s9, $0xF7A;
	s5 =	simm.s32 @!p2 $0x0  }
0x1d: {  	s5 =	simm.s32 @p1 $0x1;
	p0 =	seq.s32 s7, s2  }
0x1e: {  	s7 =	smul.u32 @!p0 $0xF7A, s2;
	p2 =	seq.s32 @!p0 s5, $0x0  }
0x1f: {  	s9 =	smul.u32 $0xF7A, s1;
	s8 =	simm.s32 @!p0 $0x1BF5;
	p2 =	por !p2, p0  }
0x20: {  	[sflag:s8] =	ssyncset.s32 @!p0 $0xFFFFF086;
	s6 =	sadd.s32 @!p0 s3, s7;
	s7 =	simm.s32 @!p0 $0x108  }
0x21: {  	s3 =	sadd.s32 s3, s9;
	s6 =	sadd.s32 @!p0 $0x88, s6;
	s7 =	simm.s32 @p2 $0x1082  }
0x22: {  	[simem:s7], [sflag:s8] =	dma.local @!p0 [hbm:s6], $0xF7A  }
0x23: {  	s9 =	sor.u32 $0xD0000000, s2;
	s6 =	simm.s32 $0x108;
	_ =	swait.ge @!p0 [sflag:s8], $0x0  }
0x24: {  	s3 =	sadd.s32 $0x88, s3;
	s6 =	simm.s32 @!p1 $0x1082;
	[sflag:s4] =	ssyncset.s32 $0xFFFFF086  }
0x25: {  	[simem:s6], [sflag:s4] =	dma.local [hbm:s3], $0xF7A  }
0x26: {  	[smem:$0x3F9D] =	sst s1;
	(tag) =	ssettag s2;
	_ =	strace s9  }
0x27: {  	s1 =	sld [smem:$0x3FAD]  }
0x28: {  	s2 =	sld [smem:$0x3FAE]  }
0x29: {  	s4 =	sld [smem:$0x3FB0]  }
0x2a: {  	p0 =	seq.s32 s5, $0x0;
	s5 =	sld [smem:$0x3FB1]  }
0x2b: {  	s6 =	sld [smem:$0x3FB2]  }
0x2c: {  	s7 =	sld [smem:$0x3FB3]  }
0x2d: {  	s3 =	simm.s32 $0x108;
	s8 =	sld [smem:$0x3FB4]  }
0x2e: {  	s3 =	simm.s32 @!p0 $0x1082;
	s9 =	sld [smem:$0x3FB5]  }
0x2f: {  	lr =	sadd.s32 s0, s3;
	s0 =	sld [smem:$0x3FAC]  }
0x30: {  	s3 =	sld [smem:$0x3FAF]  }
0x31: {  	[smem:$0x3FB8] =	sst s10  }
0x32: {  	s10 =	sld [smem:$0x3FB6];
	_ =	sdelay $0x3  }
0x33: {  	p0 =	seq.s32 s10, $0x1;
	s10 =	sld [smem:$0x3FB8];
	_ =	sdelay $0x3  }
0x34: {  	[smem:$0x3FB8] =	sst s10  }
0x35: {  	s10 =	sld [smem:$0x3FB7];
	_ =	sdelay $0x3  }
0x36: {  	p1 =	seq.s32 s10, $0x1;
	s10 =	sld [smem:$0x3FB8];
	_ =	sdelay $0x3  }
0x37: {  	[smem:$0x3FB8] =	sst s10  }
0x38: {  	s10 =	sld [smem:$0x3FB9]  }
0x39: {  	_ = 	snop;
	(pc) =	sbr.ind lr, $3  }
0x3a: {  	_ = 	snop  }
0x3b: {  	_ = 	snop  }
0x3c: {  	p2 =	seq.s32 s10, $0x1;
	s10 =	sld [smem:$0x3FB8]  }
0x3d: {  	_ =	shalt  }
0x3e: {  	_ =	shalt  }
0x3f: {  	_ =	shalt  }
0x40: {  	_ =	shalt  }
0x41: {  	_ =	shalt  }
0x42: {  	_ =	shalt  }
0x43: {  	_ =	shalt  }
0x44: {  	_ =	shalt  }
0x45: {  	_ =	shalt  }
0x46: {  	_ =	shalt  }
0x47: {  	_ =	shalt  }
0x48: {  	_ =	shalt  }
0x49: {  	_ =	shalt  }
0x4a: {  	_ =	shalt  }
0x4b: {  	_ =	shalt  }
0x4c: {  	_ =	shalt  }
0x4d: {  	_ =	shalt  }
0x4e: {  	_ =	shalt  }
0x4f: {  	_ =	shalt  }
0x50: {  	_ =	shalt  }
0x51: {  	_ =	shalt  }
0x52: {  	_ =	shalt  }
0x53: {  	_ =	shalt  }
0x54: {  	_ =	shalt  }
0x55: {  	_ =	shalt  }
0x56: {  	_ =	shalt  }
0x57: {  	_ =	shalt  }
0x58: {  	_ =	shalt  }
0x59: {  	_ =	shalt  }
0x5a: {  	_ =	shalt  }
0x5b: {  	_ =	shalt  }
0x5c: {  	_ =	shalt  }
0x5d: {  	_ =	shalt  }
0x5e: {  	_ =	shalt  }
0x5f: {  	_ =	shalt  }
0x60: {  	_ =	shalt  }
0x61: {  	_ =	shalt  }
0x62: {  	_ =	shalt  }
0x63: {  	_ =	shalt  }
0x64: {  	_ =	shalt  }
0x65: {  	_ =	shalt  }
0x66: {  	_ =	shalt  }
0x67: {  	_ =	shalt  }
0x68: {  	_ =	shalt  }
0x69: {  	_ =	shalt  }
0x6a: {  	_ =	shalt  }
0x6b: {  	_ =	shalt  }
0x6c: {  	_ =	shalt  }
0x6d: {  	_ =	shalt  }
0x6e: {  	_ =	shalt  }
0x6f: {  	_ =	shalt  }
0x70: {  	_ =	shalt  }
0x71: {  	_ =	shalt  }
0x72: {  	_ =	shalt  }
0x73: {  	_ =	shalt  }
0x74: {  	_ =	shalt  }
0x75: {  	_ =	shalt  }
0x76: {  	_ =	shalt  }
0x77: {  	_ =	shalt  }
0x78: {  	_ =	shalt  }
0x79: {  	_ =	shalt  }
0x7a: {  	_ =	shalt  }
0x7b: {  	_ =	shalt  }
0x7c: {  	_ =	shalt  }
0x7d: {  	_ =	shalt  }
0x7e: {  	_ =	shalt  }
0x7f: {  	_ =	shalt  }
0x80: {  	_ =	shalt  }
0x81: {  	_ =	shalt  }
0x82: {  	_ =	shalt  }
0x83: {  	_ =	shalt  }
0x84: {  	_ =	shalt  }
0x85: {  	_ =	shalt  }
0x86: {  	_ =	shalt  }
0x87: {  	_ =	shalt  }
.Lfunc_end0:
.L_simem_size_0:
called_computation_lowered:
.L_overlay_start_0:
0x88: {  	s2 =	sld [smem:$0x3FD9]  }
0x89: {  	s3 =	sld [smem:$0x3FFE];
	_ =	sdelay $0x1  }
0x8a: {  	s1 =	srdreg.scid  }
0x8b: {  	s0 =	sand.u32 $0x1, s1  }
0x8c: {  	s15 =	sshll.u32 s0, $0xA;
	s2 =	sadd.s32 s3, s2  }
0x8d: {  	s2 =	sadd.s32 s2, s15  }
0x8e: {  	[smem:$0x3FC4] =	sst s2  }
0x8f: {  	_ = 	snop  }
0x90: {  	s2 =	sld [smem:$0x3FC9]  }
0x91: {  	s16 =	sld [smem:$0x3FD0]  }
0x92: {  	s4 =	sld [smem:$0x3FC8]  }
0x93: {  	s5 =	sld [smem:$0x3FC7]  }
0x94: {  	s7 =	simm.s32 $0xA;
	s8 =	simm.s32 $0x10;
	s6 =	sld [smem:$0x3FC6]  }
0x95: {  	[smem:s8], [sflag:s7] =	dma.local [hbm:s16], $0x1  }
0x96: {  	_ =	swait.eq [sflag:s7], $0x1  }
0x97: {  	[sflag:s7] =	ssyncset.done $0x0  }
0x98: {  	s17 =	sld [smem:$0x10];
	[sflag:s7] =	ssyncadd.s32 $0xFFFFFFFF  }
0x99: {  	s18 =	sld [smem:$0x11];
	(tm) =	ssettm $0x1  }
0x9a: {  	s19 =	sld [smem:$0x3FFB];
	_ =	sdelay $0x3  }
0x9b: {  	_ =	strace s19  }
0x9c: {  	s8 =	sld [smem:$0x3FFC];
	_ =	sdelay $0x3  }
0x9d: {  	_ =	strace s8  }
0x9e: {  	s8 =	sld [smem:$0x3FFD];
	_ =	sdelay $0x3  }
0x9f: {  	_ =	strace s8  }
0xa0: {  	_ =	strace $0x8FFFFFFF  }
0xa1: {  	s20 =	sld [smem:$0x3FDB];
	_ =	sdelay $0x1  }
0xa2: {  	s9 =	simm.s32 $_scs_section_size  }
0xa3: {  	s10 =	simm.s32 $_size__tile_overlayer_lowered;
	s11 =	simm.s32 $_tile_overlayer_lowered  }
0xa4: {  	s23 =	simm.s32 $0x1BFF;
	s22 =	sshll.u32 s11, $0x1;
	s8 =	sadd.s32 s9, s20  }
0xa5: {  	s12 =	simm.s32 $0x0;
	s21 =	sshll.u32 s10, $0x1;
	s10 =	sadd.s32 s22, s8  }
0xa6: {  	[timem:s12], [sflag:s23] =	dma.local [hbm:s10], s21  }
0xa7: {  	_ =	swait.ge [sflag:s23], s21  }
0xa8: {  	s9 =	ssub.s32 $0x0, s21;
	[sflag:s23] =	ssyncset.done $0x0  }
0xa9: {  	[sflag:s23] =	ssyncadd.s32 s9;
	_ =	sdelay $0x1  }
0xaa: {  	s24 =	simm.s32 $0x1B8B  }
0xab: {  	_ =	swait.ge [sflag:s24], $0x1  }
0xac: {  	[sflag:s24] =	ssyncset.done $0x0  }
0xad: {  	s25 =	simm.s32 $0x1B8E;
	[sflag:s24] =	ssyncadd.s32 $0xFFFFFFFF  }
0xae: {  	s26 =	simm.s32 $execute0_lowered;
	[smem:$0x3FD2] =	sst s25  }
0xaf: {  	s9 =	sshll.u32 s26, $0x1;
	_ =	strace $0x80000046;
	[dreg:$0x1] =	wrdreg $0xFFFFFFFF  }
0xb0: {  	s28 =	simm.s32 $_size_execute0_lowered;
	s8 =	sadd.s32 s8, s9;
	[dreg:$0x0] =	wrdreg $0x0  }
0xb1: {  	s9 =	sshll.u32 s28, $0x1;
	[dreg:$0x2] =	wrdreg s8  }
0xb2: {  	[dreg:$0x3] =	wrdreg s9  }
0xb3: {  	[dreg:$0x4] =	wrdreg $0xC0  }
0xb4: {  	_ =	task [dreg:s12], $0x5FFFF  }
0xb5: {  	[dreg:$0x1] =	wrdreg $0xFFFFFFFF  }
0xb6: {  	[dreg:$0x0] =	wrdreg $0x60  }
0xb7: {  	[dreg:$0x2] =	wrdreg s2  }
0xb8: {  	[dreg:$0x3] =	wrdreg s4  }
0xb9: {  	[dreg:$0x4] =	wrdreg s5  }
0xba: {  	[dreg:$0x5] =	wrdreg s6  }
0xbb: {  	[dreg:$0x6] =	wrdreg s17  }
0xbc: {  	[dreg:$0x7] =	wrdreg s18  }
0xbd: {  	[dreg:$0x8] =	wrdreg $0x9  }
0xbe: {  	_ =	task.clear_ibuf [dreg:s12], $0x9FFFF;
	_ =	strace $0x90000046  }
0xbf: {  	s29 =	simm.s32 $0x9;
	_ =	strace $0x80000053  }
0xc0: {  	_ =	swait.ge [sflag:s29], $0x1  }
0xc1: {  	[sflag:s29] =	ssyncadd.s32 $0xFFFFFFFF  }
0xc2: {  	_ =	strace $0x90000053  }
0xc3: {  	_ =	sfence  }
0xc4: {  	s30 =	sld [smem:$0x0];
	_ =	sdelay $0x2  }
0xc5: {  	s31 =	sshll.u32 s1, $0xD;
	s1 =	sshrl.u32 s1, $0x2  }
0xc6: {  	s3 =	sand.u32 $0x4000, s31;
	s1 =	sadd.s32 s1, s30  }
0xc7: {  	s0 =	sor.u32 s3, s0;
	s1 =	sshll.u32 s1, $0x11  }
0xc8: {  	s0 =	sor.u32 s1, s0  }
0xc9: {  	s0 =	sadd.s32 $0x8F2B, s0  }
0xca: {  	[sflag:s0] =	ssyncadd.remote.s32 $0x1  }
0xcb: {  	_ =	sfence.sel $0xFFFF  }
0xcc: {  	[dreg:$0x0] =	wrdreg $0xFFFFFFFF;
	(pc) =	sbr.abs _section_cstart, $3  }
0xcd: {  	[dreg:$0x1] =	wrdreg $0xFFFFFFFF  }
0xce: {  	_ =	task.clear_ibuf [dreg:s12], $0x2FFFF;
	_ =	strace $0x9FFFFFFF  }
0xcf: {  	(tm) =	ssettm $0x7FFFFFFF  }
tec
execute0_lowered:
.L_overlay_start_1:
0x0: {  	(tag) =	ssettag $0x1  }
0x1: {  	s0 =	rddreg [dreg:$0x0]  }
0x2: {  	s1 =	rddreg [dreg:$0x1]  }
0x3: {  	s2 =	rddreg [dreg:$0x2]  }
0x4: {  	s3 =	rddreg [dreg:$0x3]  }
0x5: {  	s6 =	rddreg [dreg:$0x4]  }
0x6: {  	s4 =	srdreg.scid;
	s7 =	rddreg [dreg:$0x5]  }
0x7: {  	s9 =	stileid.u32;
	s8 =	simm.s32 $0x0;
	s4 =	sand.u32 $0x1, s4  }
0x8: {  	s14 =	simm.s32 $0x80;
	s15 =	simm.s32 $0x9;
	s5 =	sshll.u32 s4, $0x4  }
0x9: {  	s16 =	simm.s32 $0x0;
	s4 =	ssub.s32 $0x2, s4;
	s5 =	sor.u32 s9, s5  }
0xa: {  	[smem:$0x7FF] =	sst s8;
	s31 =	sshrl.u32 s4, $0x1;
	s11 =	smul.u32 $0xC40, s5  }
0xb: {  	_ =	strace $0x80000047;
	s4 =	ssub.s32 s4, s31;
	s9 =	smul.u32 $0xC4, s5  }
0xc: {  	s12 =	smax.u32 s4, $0x1;
	s10 =	sadd.s32 s2, s11;
	s11 =	sadd.s32 s3, s11  }
.LBB2_1:
0xd: {  	_ =	strace $0x80000048  }
0xe: {  	s4 =	simm.s32 $0x100;
	s26 =	simm.s32 $0x1;
	s18 =	simm.s32 $0xC4  }
0xf: {  	s28 =	simm.s32 $0x0;
	s17 =	simm.s32 $0x0;
	s19 =	simm.s32 $0x0  }
0x10: {  	[tilespmem:s8], [sflag:$0x1] =	stream.linear.gather [hbm4b:s10+s8], $0x80, $0x200038;
	[tilespmem:$0x10200] =	vst v63  }
0x11: {  	s24 =	simm.s32 $0x0;
	s20 =	simm.s32 $0x0;
	s21 =	simm.s32 $0x0  }
0x12: {  	[tilespmem:s4], [sflag:$0x3] =	stream.linear.gather [hbm4b:s11+s8], $0x80, $0x200038;
	[tilespmem:$0x10200] =	vst v63  }
0x13: {  	s22 =	simm.s32 $0x1;
	s23 =	simm.s32 $0x0;
	_ =	strace $0x90000048  }
.LBB2_2:
0x14: {  	s25 =	sadd.s32 $0x1, s28  }
0x15: {  	p0 =	seq.s32 s25, $0xC4  }
0x16: {  	s25 =	simm.s32 @p0 $0x0;
	p0 =	seq.s32 s18, $0x1  }
0x17: {  	p1 =	seq.s32 @!p0 s28, s25  }
0x18: {  	p2 =	por p1, p0  }
0x19: {  	s4 =	sadd.s32 @!p2 s9, s25  }
0x1a: {  	s5 =	sand.u32 @!p2 $0x1, s26;
	s4 =	sshll.u32 @!p2 s4, $0x4  }
0x1b: {  	_ =	strace @!p2 $0x80000049;
	s31 =	simm.s32 @!p2 $0x0;
	s4 =	sand.u32 @!p2 $0x1FFFFFF0, s4  }
0x1c: {  	s29 =	sshll.u32 @!p2 s5, $0x7;
	s5 =	sadd.s32 @!p2 $0x1, s5;
	s30 =	sadd.s32 @!p2 s2, s4  }
0x1d: {  	[tilespmem:s29], [sflag:s5] =	stream.linear.gather @!p2 [hbm4b:s30+s31], $0x80, $0x200038;
	[tilespmem:$0x10200] =	vst v63  }
0x1e: {  	s5 =	sand.u32 @!p2 $0x1, s22  }
0x1f: {  	s4 =	sadd.s32 @!p2 s3, s4;
	_ =	strace @!p2 $0x90000049;
	s29 =	sshll.u32 @!p2 s5, $0x7  }
0x20: {  	s5 =	sadd.s32 @!p2 $0x3, s5;
	_ =	strace @!p2 $0x8000004A;
	s29 =	sor.u32 @!p2 $0x100, s29  }
0x21: {  	[tilespmem:s29], [sflag:s5] =	stream.linear.gather @!p2 [hbm4b:s4+s31], $0x80, $0x200038;
	[tilespmem:$0x10200] =	vst v63  }
0x22: {  	s5 =	sand.u32 $0x1, s23;
	_ =	strace @!p2 $0x9000004A  }
0x23: {  	s4 =	sadd.s32 $0x1, s5;
	_ =	strace $0x8000004B  }
0x24: {  	_ =	swait.ge [sflag:s4], $0x80  }
0x25: {  	[sflag:s4] =	ssyncset.done $0x0  }
0x26: {  	[sflag:s4] =	ssyncadd.s32 $0xFFFFFF80  }
0x27: {  	s13 =	sand.u32 $0x1, s21;
	_ =	strace $0x9000004B  }
0x28: {  	s4 =	sadd.s32 $0x3, s13;
	_ =	strace $0x8000004C  }
0x29: {  	_ =	swait.ge [sflag:s4], $0x80  }
0x2a: {  	[sflag:s4] =	ssyncset.done $0x0  }
0x2b: {  	s30 =	sand.u32 $0x1, s20;
	[sflag:s4] =	ssyncadd.s32 $0xFFFFFF80  }
0x2c: {  	s29 =	sshll.u32 s30, $0xE;
	s31 =	sshll.u32 s23, $0x7;
	_ =	strace $0x9000004C  }
0x2d: {  	s5 =	sand.u32 $0x80, s31;
	s4 =	sor.u32 $0x200, s29;
	_ =	strace $0x8000004D  }
0x2e: {  	[tilespmem:s4], [sflag:$0x9] =	stream.indirect.gather [hbm4b:s0+s14], $0x80, s5, s14, $0x2000b8;
	[tilespmem:$0x10200] =	vst v63  }
0x2f: {  	s31 =	sand.u32 $0x1, s19;
	s13 =	sshll.u32 s21, $0x7;
	_ =	swait.ge [sflag:s15], $0x4000  }
0x30: {  	s13 =	sand.u32 $0x80, s13;
	s29 =	sshll.u32 s31, $0xE;
	[sflag:s15] =	ssyncset.done $0x0  }
0x31: {  	s13 =	sor.u32 $0x100, s13;
	s5 =	sor.u32 $0x8200, s29;
	[sflag:s15] =	ssyncadd.s32 $0xFFFFC000  }
0x32: {  	[tilespmem:s5], [sflag:$0x9] =	stream.indirect.gather [hbm4b:s1+s14], $0x80, s13, s14, $0x2000b8;
	[tilespmem:$0x10200] =	vst v63  }
0x33: {  	p3 =	por p0, !p1;
	_ =	swait.ge [sflag:s15], $0x4000  }
0x34: {  	s13 =	sadd.s32 @p3 s9, s28;
	[sflag:s15] =	ssyncset.done $0x0  }
0x35: {  	s13 =	sshll.u32 @p3 s13, $0xB;
	[sflag:s15] =	ssyncadd.s32 $0xFFFFC000  }
0x36: {  	s29 =	simm.s32 $0x0;
	s13 =	sand.u32 @p3 $0x1FFFF800, s13;
	_ =	strace $0x9000004D  }
0x37: {  	s28 =	sadd.s32 @p3 $0x5, s30;
	s29 =	sadd.s32 @p3 s6, s13;
	_ =	strace @p3 $0x8000004E  }
0x38: {  	[hbm4b:s29+s8] =	stream.linear.scatter @p3 [tilespmem:s4], [sflag:s28], $0x4000, $0x200038;
	[tilespmem:$0x10200] =	vst v63  }
0x39: {  	p1 =	por !p1, p0;
	s20 =	sadd.s32 @p3 $0x1, s20;
	_ =	strace @p3 $0x9000004E  }
0x3a: {  	s13 =	sadd.s32 @p3 s7, s13;
	s4 =	sadd.s32 @p3 $0x7, s31;
	_ =	strace @p3 $0x8000004F  }
0x3b: {  	[hbm4b:s13+s8] =	stream.linear.scatter @p3 [tilespmem:s5], [sflag:s4], $0x4000, $0x200038;
	[tilespmem:$0x10200] =	vst v63  }
0x3c: {  	s29 =	simm.s32 @p3 $0x1;
	_ =	strace @p3 $0x9000004F;
	p3 =	seq.s32 s18, $0xC4  }
0x3d: {  	s30 =	smov.u32 s26;
	s28 =	smov.u32 s25;
	s4 =	sand.u32 @!p3 $0x1, s24  }
0x3e: {  	s19 =	sadd.s32 s19, s29;
	_ =	strace @!p3 $0x80000050;
	s4 =	sadd.s32 @!p3 $0x5, s4  }
0x3f: {  	s23 =	sadd.s32 s23, s29;
	s5 =	sadd.s32 @!p2 $0x1, s26;
	_ =	swait.ge @!p3 [sflag:s4], $0x4000  }
0x40: {  	s30 =	smov.u32 @p1 s5;
	s18 =	sadd.s32 $0xFFFFFFFF, s18;
	[sflag:s4] =	ssyncset.done @!p3 $0x0  }
0x41: {  	s13 =	sand.u32 @!p3 $0x1, s17;
	[sflag:s4] =	ssyncadd.s32 @!p3 $0xFFFFC000;
	s4 =	simm.s32 $0x0  }
0x42: {  	s30 =	smov.u32 @p0 s26;
	s5 =	simm.s32 @!p3 $0x1;
	s4 =	simm.s32 @p1 $0x1  }
0x43: {  	_ =	strace @!p3 $0x90000050;
	s4 =	simm.s32 @p0 $0x0;
	p0 =	sne.s32 s18, $0x0  }
.Ltmp0:
0x44: {  	s13 =	sadd.s32 @!p3 $0x7, s13;
	_ =	strace @!p3 $0x80000051;
	(pc) =	sbr.rel @p0 .LBB2_2-.Ltmp0, $4  }
0x45: {  	s21 =	sadd.s32 s21, s29;
	s5 =	simm.s32 @p3 $0x0;
	_ =	swait.ge @!p3 [sflag:s13], $0x4000  }
0x46: {  	s22 =	sadd.s32 s22, s4;
	s4 =	sadd.s32 @!p3 $0x1, s24;
	[sflag:s13] =	ssyncset.done @!p3 $0x0  }
0x47: {  	s26 =	smov.u32 s30;
	s4 =	smov.u32 @p3 s24;
	[sflag:s13] =	ssyncadd.s32 @!p3 $0xFFFFC000  }
0x48: {  	s17 =	sadd.s32 s17, s5;
	s24 =	smov.u32 s4;
	_ =	strace @!p3 $0x90000051  }
0x49: {  	s4 =	sand.u32 $0x1, s4  }
0x4a: {  	_ =	strace $0x80000052;
	s4 =	sadd.s32 $0x5, s4  }
0x4b: {  	s16 =	sadd.s32 $0x1, s16;
	_ =	swait.ge [sflag:s4], $0x4000  }
0x4c: {  	s5 =	sand.u32 $0x1, s17;
	p0 =	sne.s32 s16, s12;
	[sflag:s4] =	ssyncset.done $0x0  }
.Ltmp1:
0x4d: {  	s31 =	sadd.s32 $0x7, s5;
	[sflag:s4] =	ssyncadd.s32 $0xFFFFC000;
	(pc) =	sbr.rel @p0 .LBB2_1-.Ltmp1, $4  }
0x4e: {  	_ =	swait.ge [sflag:s31], $0x4000  }
0x4f: {  	[sflag:s31] =	ssyncset.done $0x0  }
0x50: {  	[sflag:s31] =	ssyncadd.s32 $0xFFFFC000  }
0x51: {  	_ =	strace $0x90000052  }
0x52: {  	_ =	sfence.sel $0x180000  }
0x53: {  	[bflag:$0x0] =	sbarrier.arrive $0xFFFF  }
0x54: {  	_ =	strace $0x90000047  }
0x55: {  	s0 =	stileid.u32;
	[bflag:$0x2] =	sbarrier.arrive $0xFFFF  }
0x56: {  	p0 =	sne.s32 s0, $0x0;
	s0 =	rddreg [dreg:$0x6]  }
0x57: {  	s0 =	sadd.s32 @!p0 $0x100000, s0  }
0x58: {  	[sflag:s0] =	ssyncadd.tile.s32 @!p0 $0x1;
	_ =	shalt  }
.Lfunc_end2:
_tile_overlayer_lowered:
.L_overlay_start_2:
0x59: {  	(tag) =	ssettag $0x2  }
0x5a: {  	s0 =	rddreg [dreg:$0x0];
	s2 =	stileid.u32  }
0x5b: {  	s1 =	rddreg [dreg:$0x1];
	p0 =	sne.s32 s2, $0x0  }
0x5c: {  	s3 =	rddreg [dreg:$0x2];
	[bflag:$0x3] =	sbarrier.arrive $0xFFFF;
	s2 =	simm.s32 @!p0 $0x1C01  }
0x5d: {  	[timem:s3], [sflag:s2] =	dma.local @!p0 [hbm:s0], s1  }
0x5e: {  	s0 =	simm.s32 @!p0 $0x1  }
0x5f: {  	_ =	swait.ge @!p0 [sflag:s0], s1  }
0x60: {  	s1 =	ssub.s32 @!p0 $0x0, s1;
	[sflag:s0] =	ssyncset.done @!p0 $0x0  }
0x61: {  	[sflag:s0] =	ssyncadd.s32 @!p0 s1  }
0x62: {  	[bflag:$0x3] =	sbarrier.arrive $0xFFFF  }
0x63: {  	_ =	shalt  }

</sc_bundles>
